<compile_context>
chip_gen: v7x
topology: tpu7x:2x2x1
jax: 0.10.2.dev20260603
libtpu: 0.0.44.dev20260713+nightly
codegen_flags: <defaults>
</compile_context>

<pallas_src>
import functools
import numpy as np
import jax
import jax.numpy as jnp
from jax import lax
from jax.experimental import pallas as pl
from jax.experimental.pallas import tpu as pltpu
from jax.experimental.pallas import tpu_sc as plsc

_N = 10000
_E = 160000
_MUL0 = 16
_MUL1 = 8
_DIM = 40
_NUM_BASIS = 16
_HIDDEN = 64
_WN = 576

_NC = 2
_NS = 16
_NW = _NC * _NS
_CHUNK = 128
_NCH = 40
_EPAD = _NW * _NCH * _CHUNK
_EPAD2 = _EPAD // 2
_GROW = 48
_GCOL = 16
_GW = 64
_NACC = 10240
_RPT = _NACC // _NS

_BE2 = 1024


def _sc_gather_body(nch, trow_hbm, tcol_hbm, idxr_hbm, idxc_hbm,
                    grow_hbm, idxr_v, idxc_v, bufr_v, bufc_v,
                    semr, semc, semo):
    cid = lax.axis_index("c")
    sid = lax.axis_index("s")
    wid = sid * _NC + cid
    pltpu.sync_copy(idxr_hbm.at[wid], idxr_v)
    pltpu.sync_copy(idxc_hbm.at[wid], idxc_v)
    pltpu.async_copy(trow_hbm.at[idxr_v.at[0]], bufr_v.at[0], semr)
    pltpu.async_copy(tcol_hbm.at[idxc_v.at[0]], bufc_v.at[0], semc)
    pltpu.async_copy(trow_hbm.at[idxr_v.at[1]], bufr_v.at[1], semr)
    pltpu.async_copy(tcol_hbm.at[idxc_v.at[1]], bufc_v.at[1], semc)

    def outwait(jj):
        obase = (wid * nch + jj) * _CHUNK
        ob = lax.rem(jj, 3)
        pltpu.make_async_copy(
            bufr_v.at[ob],
            grow_hbm.at[pl.ds(obase, _CHUNK), pl.ds(0, _GROW)], semo).wait()
        pltpu.make_async_copy(
            bufc_v.at[ob],
            grow_hbm.at[pl.ds(obase, _CHUNK), pl.ds(_GROW, _GCOL)],
            semo).wait()

    def chunk(j, carry):
        cur = lax.rem(j, 3)
        base = (wid * nch + j) * _CHUNK

        @pl.when(j > 0)
        def _():
            outwait(j - 1)

        @pl.when(j + 2 < nch)
        def _():
            nx2 = lax.rem(j + 2, 3)
            pltpu.async_copy(trow_hbm.at[idxr_v.at[j + 2]],
                             bufr_v.at[nx2], semr)
            pltpu.async_copy(tcol_hbm.at[idxc_v.at[j + 2]],
                             bufc_v.at[nx2], semc)

        pltpu.make_async_copy(trow_hbm.at[idxr_v.at[j]],
                              bufr_v.at[cur], semr).wait()
        pltpu.make_async_copy(tcol_hbm.at[idxc_v.at[j]],
                              bufc_v.at[cur], semc).wait()
        pltpu.async_copy(
            bufr_v.at[cur],
            grow_hbm.at[pl.ds(base, _CHUNK), pl.ds(0, _GROW)], semo)
        pltpu.async_copy(
            bufc_v.at[cur],
            grow_hbm.at[pl.ds(base, _CHUNK), pl.ds(_GROW, _GCOL)], semo)
        return carry

    lax.fori_loop(0, nch, chunk, 0)
    outwait(nch - 1)


def _sc_gather(trow, tcol, idxr, idxc):
    nch = idxr.shape[1]
    mesh = plsc.VectorSubcoreMesh(core_axis_name="c", subcore_axis_name="s",
                                  num_cores=_NC, num_subcores=_NS)
    return pl.kernel(
        functools.partial(_sc_gather_body, nch),
        out_type=jax.ShapeDtypeStruct((_NW * nch * _CHUNK, _GW), jnp.float32),
        mesh=mesh,
        scratch_types=[
            pltpu.VMEM((nch, _CHUNK), jnp.int32),
            pltpu.VMEM((nch, _CHUNK), jnp.int32),
            pltpu.VMEM((3, _CHUNK, _GROW), jnp.float32),
            pltpu.VMEM((3, _CHUNK, _GCOL), jnp.float32),
            pltpu.SemaphoreType.DMA,
            pltpu.SemaphoreType.DMA,
            pltpu.SemaphoreType.DMA,
        ],
        compiler_params=pltpu.CompilerParams(use_tc_tiling_on_sc=False),
    )(trow, tcol, idxr, idxc)


def _dot(a, b):
    return jnp.dot(a, b, preferred_element_type=jnp.float32)


def _tc_msg_body(g2_ref, w1_ref, w2_ref, r1_ref, s1_ref, r2_ref,
                 s2_ref, r3_ref, s3_ref, r4_ref, s4_ref, t4_ref, o3_ref,
                 o16_ref, out_ref):
    blk = g2_ref[...]
    g = jnp.concatenate([blk[:, 0:_GW], blk[:, _GW:2 * _GW]], axis=0)
    xs = g[:, 0:16]
    xv = g[:, 16:40]
    ev = g[:, 40:43] - g[:, 48:51]
    len2 = _dot(ev * ev, o3_ref[...])
    elen = jnp.sqrt(len2)
    d16 = _dot(elen, o16_ref[...])
    centers = lax.broadcasted_iota(jnp.int32, (1, _NUM_BASIS), 1).astype(
        jnp.float32) * np.float32(4.0 / (_NUM_BASIS - 1))
    rbf = jnp.exp(-8.0 * (d16 - centers) ** 2)
    h = jnp.maximum(_dot(rbf, w1_ref[...]), 0.0)
    w = _dot(h, w2_ref[...])

    rlen = jnp.maximum(elen, 1e-12)
    y1 = ev * (jnp.sqrt(3.0).astype(jnp.float32) / rlen)
    xvY = (xv[:, 0:8] * y1[:, 0:1] + xv[:, 8:16] * y1[:, 1:2]
           + xv[:, 16:24] * y1[:, 2:3])

    t = jnp.concatenate([xs, xvY], axis=1)
    out0 = _dot(w[:, 0:384] * _dot(t, r1_ref[...]), s1_ref[...])
    c1 = _dot(w[:, 384:512] * _dot(xs, r2_ref[...]), s2_ref[...])
    wd = w[:, 512:576]
    outs = [out0]
    for k in range(3):
        repd = _dot(g[:, 16 + 8 * k:24 + 8 * k], r3_ref[...])
        d1 = _dot(wd * repd, s3_ref[...])
        outs.append(c1 * y1[:, k:k + 1] + d1)
    msg = jnp.concatenate(outs, axis=1)
    half = blk.shape[0]
    z24 = jnp.zeros((half, 24), jnp.float32)
    out_ref[...] = jnp.concatenate(
        [msg[0:half], z24, msg[half:2 * half], z24], axis=1)


def _tp_consts():
    r1 = np.zeros((24, 384), np.float32)
    for j in range(256):
        r1[j // 16, j] = 1.0
    for j in range(128):
        r1[16 + j // 16, 256 + j] = 1.0
    s1 = np.zeros((384, 16), np.float32)
    for j in range(384):
        s1[j, j % 16] = 1.0
    r2 = np.zeros((16, 128), np.float32)
    for j in range(128):
        r2[j // 8, j] = 1.0
    s2 = np.zeros((128, 8), np.float32)
    for j in range(128):
        s2[j, j % 8] = 1.0
    r3 = np.zeros((8, 64), np.float32)
    for j in range(64):
        r3[j // 8, j] = 1.0
    s3 = np.zeros((64, 8), np.float32)
    for j in range(64):
        s3[j, j % 8] = 1.0
    r4 = np.zeros((3, 24), np.float32)
    for j in range(24):
        r4[j // 8, j] = 1.0
    s4 = np.zeros((24, 8), np.float32)
    for j in range(24):
        s4[j, j % 8] = 1.0
    t4 = np.zeros((8, 24), np.float32)
    for j in range(24):
        t4[j % 8, j] = 1.0
    o3 = np.ones((3, 1), np.float32)
    o16 = np.ones((1, 16), np.float32)
    mats = (r1, s1, r2, s2, r3, s3, r4, s4, t4, o3, o16)
    return tuple(jnp.asarray(m) for m in mats)


def _tc_msg(g2, w1p, w2p):
    grid = (g2.shape[0] // _BE2,)
    consts = _tp_consts()
    full = lambda a: pl.BlockSpec(a.shape, lambda i: (0,) * a.ndim)
    return pl.pallas_call(
        _tc_msg_body,
        grid=grid,
        in_specs=[
            pl.BlockSpec((_BE2, 2 * _GW), lambda i: (i, 0)),
            pl.BlockSpec((_NUM_BASIS, _HIDDEN), lambda i: (0, 0)),
            pl.BlockSpec((_HIDDEN, _WN), lambda i: (0, 0)),
        ] + [full(c) for c in consts],
        out_specs=pl.BlockSpec((_BE2, 2 * _GW), lambda i: (i, 0)),
        out_shape=jax.ShapeDtypeStruct(g2.shape, jnp.float32),
    )(g2, w1p, w2p, *consts)


def _sc_scatter_body(nch, msg_hbm, idxd_hbm, zeros_hbm, out_hbm,
                     acc_shared, idx_v, buf_v, seml):
    cid = lax.axis_index("c")
    sid = lax.axis_index("s")
    wid = sid * _NC + cid
    pltpu.sync_copy(zeros_hbm, acc_shared.at[pl.ds(sid * _RPT, _RPT)])
    pltpu.sync_copy(idxd_hbm.at[wid], idx_v)
    pltpu.async_copy(msg_hbm.at[pl.ds(wid * nch * _CHUNK, _CHUNK)],
                     buf_v.at[0], seml)
    plsc.subcore_barrier()

    def chunk(j, carry):
        cur = lax.rem(j, 2)
        base = (wid * nch + j) * _CHUNK
        pltpu.make_async_copy(msg_hbm.at[pl.ds(base, _CHUNK)],
                              buf_v.at[cur], seml).wait()

        @pl.when(j + 1 < nch)
        def _():
            nbase = (wid * nch + j + 1) * _CHUNK
            pltpu.async_copy(msg_hbm.at[pl.ds(nbase, _CHUNK)],
                             buf_v.at[lax.rem(j + 1, 2)], seml)

        pltpu.sync_copy(buf_v.at[cur], acc_shared.at[idx_v.at[j]], add=True)
        return carry


    lax.fori_loop(0, _NCH, chunk, 0)
    plsc.subcore_barrier()
    pltpu.sync_copy(acc_shared.at[pl.ds(sid * _RPT, _RPT)],
                    out_hbm.at[cid].at[pl.ds(sid * _RPT, _RPT)])


def _sc_scatter(msg, idxd, zeros_blk):
    nch = idxd.shape[1]
    mesh = plsc.VectorSubcoreMesh(core_axis_name="c", subcore_axis_name="s",
                                  num_cores=_NC, num_subcores=_NS)
    return pl.kernel(
        functools.partial(_sc_scatter_body, nch),
        out_type=jax.ShapeDtypeStruct((_NC, _NACC, _GW), jnp.float32),
        mesh=mesh,
        scratch_types=[
            pltpu.VMEM_SHARED((_NACC, _GW), jnp.float32),
            pltpu.VMEM((nch, _CHUNK), jnp.int32),
            pltpu.VMEM((2, _CHUNK, _GW), jnp.float32),
            pltpu.SemaphoreType.DMA,
        ],
        compiler_params=pltpu.CompilerParams(use_tc_tiling_on_sc=False),
    )(msg, idxd, zeros_blk)


def _tc_fin_body(p_ref, pm_ref, out_ref):
    s = p_ref[0] + p_ref[1]
    sc = s[:, 0:16]
    act = sc / (1.0 + jnp.exp(-sc))
    yv = _dot(s[:, 16:40], pm_ref[...])
    out_ref[...] = jnp.concatenate([act, yv], axis=1)


def _tc_fin(partials):
    pm = np.zeros((24, 24), np.float32)
    for k in range(3):
        for u in range(8):
            pm[8 * k + u, 3 * u + k] = 1.0
    return pl.pallas_call(
        _tc_fin_body,
        out_shape=jax.ShapeDtypeStruct((_NACC, _DIM), jnp.float32),
    )(partials, jnp.asarray(pm))


def kernel(x, pos, edge_index, W1, W2):
    f32 = jnp.float32
    row = edge_index[0].astype(jnp.int32)
    col = edge_index[1].astype(jnp.int32)

    pw0 = np.sqrt(1.0 / 24.0)
    pw1 = np.sqrt(3.0 / 24.0)
    inv_s3 = 1.0 / np.sqrt(3.0)
    colscale = np.concatenate([
        np.full(256, pw0), np.full(128, pw0 * inv_s3),
        np.full(128, pw1 * inv_s3), np.full(64, pw1 * inv_s3),
    ]).astype(np.float32)
    w1p = W1 * np.float32(np.sqrt(2.0) / np.sqrt(_NUM_BASIS))
    w2p = (W2 * np.float32(1.0 / np.sqrt(_HIDDEN))) * colscale[None, :]

    xk = jnp.concatenate(
        [x[:, :16],
         x[:, 16:].reshape(_N, 8, 3).transpose(0, 2, 1).reshape(_N, 24)],
        axis=1)
    trow = jnp.concatenate([xk, pos, jnp.zeros((_N, 5), f32)], axis=1)
    trow = jnp.concatenate([trow, jnp.zeros((8, _GROW), f32)], axis=0)
    tcol = jnp.concatenate([pos, jnp.zeros((_N, 13), f32)], axis=1)

    pad = _EPAD - _E
    idxr = jnp.pad(row, (0, pad), constant_values=_N).reshape(
        _NW, _NCH, _CHUNK)
    idxc = jnp.pad(col, (0, pad)).reshape(_NW, _NCH, _CHUNK)
    zeros_blk = jnp.zeros((_RPT, _GW), f32)

    grow = _sc_gather(trow, tcol, idxr, idxc)
    g2 = grow.reshape(_EPAD2, 2 * _GW)
    msg2 = _tc_msg(g2, w1p, w2p)
    msg = msg2.reshape(_EPAD, _GW)
    partials = _sc_scatter(msg, idxr, zeros_blk)
    yfull = _tc_fin(partials)
    return yfull[:_N]

# --- scband reference (transcript-rebuilt; emitter-appended) ---
"""Pipeline reference for scband-tfnlite-layer-2302102471547 (READ-ONLY COPY).

The authoritative reference and input builder live on the scoring server;
editing this copy changes nothing except your own understanding.
"""

import jax, jax.numpy as jnp
import numpy as np

N = 10000
E = 160000
MUL0 = 16
MUL1 = 8
DIM = MUL0 + 3 * MUL1  # 40
NUM_BASIS = 16
HIDDEN = 64
WN = MUL0 * MUL0 + MUL1 * MUL0 + MUL0 * MUL1 + MUL1 * MUL1  # 576


def setup_inputs(seed: int = 0) -> dict:
    key = jax.random.key(seed)
    k1, k2, k3, k4, k5 = jax.random.split(key, 5)
    x = jax.random.normal(k1, (N, DIM), dtype=jnp.float32)
    pos = jax.random.normal(k2, (N, 3), dtype=jnp.float32)
    edge_index = jax.random.randint(k3, (2, E), 0, N)
    W1 = jax.random.normal(k4, (NUM_BASIS, HIDDEN), dtype=jnp.float32)
    W2 = jax.random.normal(k5, (HIDDEN, WN), dtype=jnp.float32)
    return {"x": x, "pos": pos, "edge_index": edge_index, "W1": W1, "W2": W2}


def _forward(x, pos, edge_index, W1, W2):
    row = edge_index[0]
    col = edge_index[1]
    # edge geometry
    edge_vec = pos[row] - pos[col]
    edge_len = jnp.linalg.norm(edge_vec, axis=-1, keepdims=True)
    # RadialBasis(num_basis=16): Gaussian radial basis on [0, 4]
    centers = jnp.linspace(0.0, 4.0, NUM_BASIS)
    width = 4.0 / NUM_BASIS
    rbf = jnp.exp(-((edge_len - centers[None, :]) ** 2) / (2.0 * width ** 2))  # [E, 16]
    # FullyConnectedNet([16, 64, WN], relu): e3nn-style variance-preserving MLP
    h = jax.nn.relu(rbf @ (W1 / jnp.sqrt(float(NUM_BASIS)))) * jnp.sqrt(2.0)
    w = h @ (W2 / jnp.sqrt(float(HIDDEN)))  # [E, WN] per-edge TP weights
    # spherical_harmonics('1x0e + 1x1o', normalize=True, normalization='component')
    unit = edge_vec / jnp.maximum(edge_len, 1e-12)
    Y0 = jnp.ones((edge_vec.shape[0], 1), dtype=x.dtype)
    Y1 = jnp.sqrt(3.0) * unit  # component-normalized l=1 SH
    # gather source-node features and split into irrep blocks
    xg = x[row]
    xs = xg[:, :MUL0]                       # [E, 16]  scalars 0e
    xv = xg[:, MUL0:].reshape(-1, MUL1, 3)  # [E, 8, 3] vectors 1o
    # split per-edge weights per instruction (uvw mode, mul2 = 1)
    o = 0
    WA = w[:, o:o + MUL0 * MUL0].reshape(-1, MUL0, MUL0); o += MUL0 * MUL0  # 0e x 0e -> 0e
    WB = w[:, o:o + MUL1 * MUL0].reshape(-1, MUL1, MUL0); o += MUL1 * MUL0  # 1o x 1o -> 0e
    WC = w[:, o:o + MUL0 * MUL1].reshape(-1, MUL0, MUL1); o += MUL0 * MUL1  # 0e x 1o -> 1o
    WD = w[:, o:o + MUL1 * MUL1].reshape(-1, MUL1, MUL1)                    # 1o x 0e -> 1o
    # e3nn path weights: irrep_normalization='component', path_normalization='element'
    # fan_in to 0e out: 16*1 + 8*1 = 24 ; fan_in to 1o out: 16*1 + 8*1 = 24
    pw0 = jnp.sqrt(1.0 / 24.0)   # sqrt(dim(0e)/24)
    pw1 = jnp.sqrt(3.0 / 24.0)   # sqrt(dim(1o)/24)
    inv_s3 = 1.0 / jnp.sqrt(3.0)  # wigner_3j(1,1,0) and (0,1,1),(1,0,1) = delta/sqrt(3)
    out0 = pw0 * (jnp.einsum('euw,eu->ew', WA, xs) * Y0
                  + inv_s3 * jnp.einsum('euw,eui,ei->ew', WB, xv, Y1))
    out1 = pw1 * (inv_s3 * jnp.einsum('euw,eu,ek->ewk', WC, xs, Y1)
                  + inv_s3 * jnp.einsum('euw,eui->ewi', WD, xv) * Y0[:, :, None])
    msg = jnp.concatenate([out0, out1.reshape(-1, MUL1 * 3)], axis=1)  # [E, 40]
    # scatter_sum over row with dim_size = N
    y = jnp.zeros((x.shape[0], DIM), dtype=x.dtype).at[row].add(msg)
    # Activation: silu on l=0 scalars, identity on l=1 vectors
    ys = jax.nn.silu(y[:, :MUL0])
    return jnp.concatenate([ys, y[:, MUL0:]], axis=1)


def reference(x, pos, edge_index, W1, W2):
    return _forward(x, pos, edge_index, W1, W2)

if __name__ == "__main__":
    import jax
    _d = setup_inputs()
    print(jax.jit(kernel)(*tuple(_d.values())))

</pallas_src>

<mosaic_0001>
#map = affine_map<(d0, d1) -> (0, 0)>
#map1 = affine_map<(d0, d1) -> (0, 0, 0)>
module attributes {stable_mosaic.version = 14 : i64} {
  func.func @_sc_scatter_body(%arg0: i32, %arg1: i32, %arg2: memref<163840x64xf32, #tpu.memory_space<hbm>>, %arg3: memref<32x40x128xi32, #tpu.memory_space<hbm>>, %arg4: memref<640x64xf32, #tpu.memory_space<hbm>>, %arg5: memref<2x10240x64xf32, #tpu.memory_space<hbm>>, %arg6: memref<10240x64xf32, #tpu.memory_space<vmem_shared>>, %arg7: memref<40x128xi32, #tpu.memory_space<vmem>>, %arg8: memref<2x128x64xf32, #tpu.memory_space<vmem>>, %arg9: memref<!tpu.dma_semaphore, #tpu.memory_space<semaphore_mem>>) attributes {dimension_semantics = [#tpu.dimension_semantics<core_parallel>, #tpu.dimension_semantics<subcore_parallel>], iteration_bounds = array<i64: 2, 16>, scalar_prefetch = 0 : i64, scratch_operands = 4 : i64, tpu.core_type = #tpu.core_type<sc_vector_subcore>, window_params = [{transform_indices = #map}, {transform_indices = #map1}, {transform_indices = #map}, {transform_indices = #map1}]} {
    %mul3A = arith.constant 2 : i32
    %mul3A_0 = arith.muli %arg1, %mul3A : i32
    %add3A = arith.addi %mul3A_0, %arg0 : i32
    %mul3A_1 = arith.constant 640 : i32
    %mul3A_2 = arith.muli %arg1, %mul3A_1 : i32
    "tpu.region"() ({
      %run_scoped3A = tpu.sem_alloc : memref<!tpu.dma_semaphore, #tpu.memory_space<semaphore_mem>>
      %dma_start3A_29 = arith.constant 0 : i32
      %dma_start3A_30 = tpu.memref_slice %arg6[%mul3A_2, %dma_start3A_29] : memref<10240x64xf32, #tpu.memory_space<vmem_shared>> -> memref<640x64xf32, #tpu.memory_space<vmem_shared>>
      tpu.enqueue_dma source(%arg4 : memref<640x64xf32, #tpu.memory_space<hbm>>) target(%dma_start3A_30 : memref<640x64xf32, #tpu.memory_space<vmem_shared>>) target_semaphore(%run_scoped3A : memref<!tpu.dma_semaphore, #tpu.memory_space<semaphore_mem>>)
      %dma_wait3A = arith.constant 0 : i32
      %dma_wait3A_31 = tpu.memref_slice %arg6[%mul3A_2, %dma_wait3A] : memref<10240x64xf32, #tpu.memory_space<vmem_shared>> -> memref<640x64xf32, #tpu.memory_space<vmem_shared>>
      tpu.wait_dma2 semaphore(%run_scoped3A : memref<!tpu.dma_semaphore, #tpu.memory_space<semaphore_mem>>) src(%arg4 : memref<640x64xf32, #tpu.memory_space<hbm>>) dst(%dma_wait3A_31 : memref<640x64xf32, #tpu.memory_space<vmem_shared>>)
      tpu.yield
    }) : () -> ()
    "tpu.region"() ({
      %run_scoped3A = tpu.sem_alloc : memref<!tpu.dma_semaphore, #tpu.memory_space<semaphore_mem>>
      %dma_start3A_29 = arith.constant 0 : i32
      %dma_start3A_30 = arith.constant 0 : i32
      %dma_start3A_31 = tpu.memref_slice %arg3[%add3A, %dma_start3A_29, %dma_start3A_30] : memref<32x40x128xi32, #tpu.memory_space<hbm>> -> memref<1x40x128xi32, #tpu.memory_space<hbm>>
      %dma_start3A_32 = tpu.memref_squeeze %dma_start3A_31 : memref<1x40x128xi32, #tpu.memory_space<hbm>> -> memref<40x128xi32, #tpu.memory_space<hbm>>
      %dma_start3A_33 = arith.constant 0 : i32
      %dma_start3A_34 = arith.constant 0 : i32
      %dma_start3A_35 = tpu.memref_slice %arg3[%add3A, %dma_start3A_33, %dma_start3A_34] : memref<32x40x128xi32, #tpu.memory_space<hbm>> -> memref<1x40x128xi32, #tpu.memory_space<hbm>>
      %dma_start3A_36 = tpu.memref_squeeze %dma_start3A_35 : memref<1x40x128xi32, #tpu.memory_space<hbm>> -> memref<40x128xi32, #tpu.memory_space<hbm>>
      tpu.enqueue_dma source(%dma_start3A_36 : memref<40x128xi32, #tpu.memory_space<hbm>>) target(%arg7 : memref<40x128xi32, #tpu.memory_space<vmem>>) target_semaphore(%run_scoped3A : memref<!tpu.dma_semaphore, #tpu.memory_space<semaphore_mem>>)
      %dma_wait3A = arith.constant 0 : i32
      %dma_wait3A_37 = arith.constant 0 : i32
      %dma_wait3A_38 = tpu.memref_slice %arg3[%add3A, %dma_wait3A, %dma_wait3A_37] : memref<32x40x128xi32, #tpu.memory_space<hbm>> -> memref<1x40x128xi32, #tpu.memory_space<hbm>>
      %dma_wait3A_39 = tpu.memref_squeeze %dma_wait3A_38 : memref<1x40x128xi32, #tpu.memory_space<hbm>> -> memref<40x128xi32, #tpu.memory_space<hbm>>
      %dma_wait3A_40 = arith.constant 0 : i32
      %dma_wait3A_41 = arith.constant 0 : i32
      %dma_wait3A_42 = tpu.memref_slice %arg3[%add3A, %dma_wait3A_40, %dma_wait3A_41] : memref<32x40x128xi32, #tpu.memory_space<hbm>> -> memref<1x40x128xi32, #tpu.memory_space<hbm>>
      %dma_wait3A_43 = tpu.memref_squeeze %dma_wait3A_42 : memref<1x40x128xi32, #tpu.memory_space<hbm>> -> memref<40x128xi32, #tpu.memory_space<hbm>>
      tpu.wait_dma2 semaphore(%run_scoped3A : memref<!tpu.dma_semaphore, #tpu.memory_space<semaphore_mem>>) src(%dma_wait3A_43 : memref<40x128xi32, #tpu.memory_space<hbm>>) dst(%arg7 : memref<40x128xi32, #tpu.memory_space<vmem>>)
      tpu.yield
    }) : () -> ()
    %mul3A_3 = arith.constant 40 : i32
    %mul3A_4 = arith.muli %add3A, %mul3A_3 : i32
    %mul3A_5 = arith.constant 128 : i32
    %mul3A_6 = arith.muli %mul3A_4, %mul3A_5 : i32
    %dma_start3A = arith.constant 0 : i32
    %dma_start3A_7 = arith.constant 0 : i32
    %dma_start3A_8 = arith.constant 0 : i32
    %dma_start3A_9 = tpu.memref_slice %arg8[%dma_start3A, %dma_start3A_7, %dma_start3A_8] : memref<2x128x64xf32, #tpu.memory_space<vmem>> -> memref<1x128x64xf32, #tpu.memory_space<vmem>>
    %dma_start3A_10 = tpu.memref_squeeze %dma_start3A_9 : memref<1x128x64xf32, #tpu.memory_space<vmem>> -> memref<128x64xf32, #tpu.memory_space<vmem>>
    %dma_start3A_11 = arith.constant 0 : i32
    %dma_start3A_12 = tpu.memref_slice %arg2[%mul3A_6, %dma_start3A_11] : memref<163840x64xf32, #tpu.memory_space<hbm>> -> memref<128x64xf32, #tpu.memory_space<hbm>>
    %dma_start3A_13 = arith.constant 0 : i32
    %dma_start3A_14 = arith.constant 0 : i32
    %dma_start3A_15 = tpu.memref_slice %arg8[%dma_start3A, %dma_start3A_13, %dma_start3A_14] : memref<2x128x64xf32, #tpu.memory_space<vmem>> -> memref<1x128x64xf32, #tpu.memory_space<vmem>>
    %dma_start3A_16 = tpu.memref_squeeze %dma_start3A_15 : memref<1x128x64xf32, #tpu.memory_space<vmem>> -> memref<128x64xf32, #tpu.memory_space<vmem>>
    %dma_start3A_17 = arith.constant 0 : i32
    %dma_start3A_18 = tpu.memref_slice %arg2[%mul3A_6, %dma_start3A_17] : memref<163840x64xf32, #tpu.memory_space<hbm>> -> memref<128x64xf32, #tpu.memory_space<hbm>>
    tpu.enqueue_dma source(%dma_start3A_18 : memref<128x64xf32, #tpu.memory_space<hbm>>) target(%dma_start3A_16 : memref<128x64xf32, #tpu.memory_space<vmem>>) target_semaphore(%arg9 : memref<!tpu.dma_semaphore, #tpu.memory_space<semaphore_mem>>)
    %barrier3A = arith.constant 0 : index
    tpu.barrier barrier_id(%barrier3A)
    %scan3A = arith.constant 0 : i32
    %scan3A_19 = arith.constant 0 : i32
    %scan3A_20 = arith.constant 40 : i32
    %scan3A_21 = arith.addi %scan3A_19, %scan3A_20 : i32
    %scan3A_22 = arith.constant 1 : i32
    scf.for %scan3A_29 = %scan3A_19 to %scan3A_21 step %scan3A_22  : i32 {
      %rem3A = arith.constant 2 : i32
      %rem3A_30 = arith.remsi %scan3A_29, %rem3A : i32
      %mul3A_31 = arith.constant 40 : i32
      %mul3A_32 = arith.muli %add3A, %mul3A_31 : i32
      %add3A_33 = arith.addi %mul3A_32, %scan3A_29 : i32
      %mul3A_34 = arith.constant 128 : i32
      %mul3A_35 = arith.muli %add3A_33, %mul3A_34 : i32
      %dma_wait3A = arith.constant 0 : i32
      %dma_wait3A_36 = arith.constant 0 : i32
      %dma_wait3A_37 = tpu.memref_slice %arg8[%rem3A_30, %dma_wait3A, %dma_wait3A_36] : memref<2x128x64xf32, #tpu.memory_space<vmem>> -> memref<1x128x64xf32, #tpu.memory_space<vmem>>
      %dma_wait3A_38 = tpu.memref_squeeze %dma_wait3A_37 : memref<1x128x64xf32, #tpu.memory_space<vmem>> -> memref<128x64xf32, #tpu.memory_space<vmem>>
      %dma_wait3A_39 = arith.constant 0 : i32
      %dma_wait3A_40 = tpu.memref_slice %arg2[%mul3A_35, %dma_wait3A_39] : memref<163840x64xf32, #tpu.memory_space<hbm>> -> memref<128x64xf32, #tpu.memory_space<hbm>>
      %dma_wait3A_41 = arith.constant 0 : i32
      %dma_wait3A_42 = arith.constant 0 : i32
      %dma_wait3A_43 = tpu.memref_slice %arg8[%rem3A_30, %dma_wait3A_41, %dma_wait3A_42] : memref<2x128x64xf32, #tpu.memory_space<vmem>> -> memref<1x128x64xf32, #tpu.memory_space<vmem>>
      %dma_wait3A_44 = tpu.memref_squeeze %dma_wait3A_43 : memref<1x128x64xf32, #tpu.memory_space<vmem>> -> memref<128x64xf32, #tpu.memory_space<vmem>>
      %dma_wait3A_45 = arith.constant 0 : i32
      %dma_wait3A_46 = tpu.memref_slice %arg2[%mul3A_35, %dma_wait3A_45] : memref<163840x64xf32, #tpu.memory_space<hbm>> -> memref<128x64xf32, #tpu.memory_space<hbm>>
      tpu.wait_dma2 semaphore(%arg9 : memref<!tpu.dma_semaphore, #tpu.memory_space<semaphore_mem>>) src(%dma_wait3A_46 : memref<128x64xf32, #tpu.memory_space<hbm>>) dst(%dma_wait3A_44 : memref<128x64xf32, #tpu.memory_space<vmem>>)
      %add3A_47 = arith.constant 1 : i32
      %add3A_48 = arith.addi %scan3A_29, %add3A_47 : i32
      %lt3A = arith.constant 40 : i32
      %lt3A_49 = arith.cmpi slt, %add3A_48, %lt3A : i32
      %convert_element_type3A = arith.extui %lt3A_49 : i1 to i32
      %cond3A = arith.constant 0 : i32
      %cond3A_50 = arith.cmpi ne, %convert_element_type3A, %cond3A : i32
      scf.if %cond3A_50 {
        %mul3A_51 = arith.constant 40 : i32
        %mul3A_52 = arith.muli %add3A, %mul3A_51 : i32
        %add3A_53 = arith.addi %mul3A_52, %scan3A_29 : i32
        %add3A_54 = arith.constant 1 : i32
        %add3A_55 = arith.addi %add3A_53, %add3A_54 : i32
        %mul3A_56 = arith.constant 128 : i32
        %mul3A_57 = arith.muli %add3A_55, %mul3A_56 : i32
        %add3A_58 = arith.constant 1 : i32
        %add3A_59 = arith.addi %scan3A_29, %add3A_58 : i32
        %rem3A_60 = arith.constant 2 : i32
        %rem3A_61 = arith.remsi %add3A_59, %rem3A_60 : i32
        %dma_start3A_62 = arith.constant 0 : i32
        %dma_start3A_63 = arith.constant 0 : i32
        %dma_start3A_64 = tpu.memref_slice %arg8[%rem3A_61, %dma_start3A_62, %dma_start3A_63] : memref<2x128x64xf32, #tpu.memory_space<vmem>> -> memref<1x128x64xf32, #tpu.memory_space<vmem>>
        %dma_start3A_65 = tpu.memref_squeeze %dma_start3A_64 : memref<1x128x64xf32, #tpu.memory_space<vmem>> -> memref<128x64xf32, #tpu.memory_space<vmem>>
        %dma_start3A_66 = arith.constant 0 : i32
        %dma_start3A_67 = tpu.memref_slice %arg2[%mul3A_57, %dma_start3A_66] : memref<163840x64xf32, #tpu.memory_space<hbm>> -> memref<128x64xf32, #tpu.memory_space<hbm>>
        %dma_start3A_68 = arith.constant 0 : i32
        %dma_start3A_69 = arith.constant 0 : i32
        %dma_start3A_70 = tpu.memref_slice %arg8[%rem3A_61, %dma_start3A_68, %dma_start3A_69] : memref<2x128x64xf32, #tpu.memory_space<vmem>> -> memref<1x128x64xf32, #tpu.memory_space<vmem>>
        %dma_start3A_71 = tpu.memref_squeeze %dma_start3A_70 : memref<1x128x64xf32, #tpu.memory_space<vmem>> -> memref<128x64xf32, #tpu.memory_space<vmem>>
        %dma_start3A_72 = arith.constant 0 : i32
        %dma_start3A_73 = tpu.memref_slice %arg2[%mul3A_57, %dma_start3A_72] : memref<163840x64xf32, #tpu.memory_space<hbm>> -> memref<128x64xf32, #tpu.memory_space<hbm>>
        tpu.enqueue_dma source(%dma_start3A_73 : memref<128x64xf32, #tpu.memory_space<hbm>>) target(%dma_start3A_71 : memref<128x64xf32, #tpu.memory_space<vmem>>) target_semaphore(%arg9 : memref<!tpu.dma_semaphore, #tpu.memory_space<semaphore_mem>>)
      } else {
      }
      "tpu.region"() ({
        %run_scoped3A = tpu.sem_alloc : memref<!tpu.dma_semaphore, #tpu.memory_space<semaphore_mem>>
        %dma_start3A_51 = arith.constant 0 : i32
        %dma_start3A_52 = arith.constant 0 : i32
        %dma_start3A_53 = tpu.memref_slice %arg8[%rem3A_30, %dma_start3A_51, %dma_start3A_52] : memref<2x128x64xf32, #tpu.memory_space<vmem>> -> memref<1x128x64xf32, #tpu.memory_space<vmem>>
        %dma_start3A_54 = tpu.memref_squeeze %dma_start3A_53 : memref<1x128x64xf32, #tpu.memory_space<vmem>> -> memref<128x64xf32, #tpu.memory_space<vmem>>
        %dma_start3A_55 = arith.constant 0 : i32
        %dma_start3A_56 = tpu.memref_slice %arg7[%scan3A_29, %dma_start3A_55] : memref<40x128xi32, #tpu.memory_space<vmem>> -> memref<1x128xi32, #tpu.memory_space<vmem>>
        %dma_start3A_57 = tpu.memref_squeeze %dma_start3A_56 : memref<1x128xi32, #tpu.memory_space<vmem>> -> memref<128xi32, #tpu.memory_space<vmem>>
        %dma_start3A_58 = arith.constant 0 : i32
        %dma_start3A_59 = arith.constant 0 : i32
        %dma_start3A_60 = tpu.memref_slice %arg6[%dma_start3A_58, %dma_start3A_59] : memref<10240x64xf32, #tpu.memory_space<vmem_shared>> -> memref<10240x64xf32, #tpu.memory_space<vmem_shared>>
        tpu.enqueue_indirect_dma source(%dma_start3A_54 : memref<128x64xf32, #tpu.memory_space<vmem>>) target(%dma_start3A_60 : memref<10240x64xf32, #tpu.memory_space<vmem_shared>>) offsets(%dma_start3A_57 : memref<128xi32, #tpu.memory_space<vmem>>) semaphore(%run_scoped3A : memref<!tpu.dma_semaphore, #tpu.memory_space<semaphore_mem>>) {add = true}
        %dma_wait3A_61 = arith.constant 0 : i32
        %dma_wait3A_62 = arith.constant 0 : i32
        %dma_wait3A_63 = tpu.memref_slice %arg8[%rem3A_30, %dma_wait3A_61, %dma_wait3A_62] : memref<2x128x64xf32, #tpu.memory_space<vmem>> -> memref<1x128x64xf32, #tpu.memory_space<vmem>>
        %dma_wait3A_64 = tpu.memref_squeeze %dma_wait3A_63 : memref<1x128x64xf32, #tpu.memory_space<vmem>> -> memref<128x64xf32, #tpu.memory_space<vmem>>
        %dma_wait3A_65 = arith.constant 0 : i32
        %dma_wait3A_66 = tpu.memref_slice %arg7[%scan3A_29, %dma_wait3A_65] : memref<40x128xi32, #tpu.memory_space<vmem>> -> memref<1x128xi32, #tpu.memory_space<vmem>>
        %dma_wait3A_67 = tpu.memref_squeeze %dma_wait3A_66 : memref<1x128xi32, #tpu.memory_space<vmem>> -> memref<128xi32, #tpu.memory_space<vmem>>
        %dma_wait3A_68 = arith.constant 0 : i32
        %dma_wait3A_69 = arith.constant 0 : i32
        %dma_wait3A_70 = tpu.memref_slice %arg6[%dma_wait3A_68, %dma_wait3A_69] : memref<10240x64xf32, #tpu.memory_space<vmem_shared>> -> memref<10240x64xf32, #tpu.memory_space<vmem_shared>>
        tpu.wait_indirect_dma semaphore(%run_scoped3A : memref<!tpu.dma_semaphore, #tpu.memory_space<semaphore_mem>>) src(%dma_wait3A_64 : memref<128x64xf32, #tpu.memory_space<vmem>>) dst(%dma_wait3A_70 : memref<10240x64xf32, #tpu.memory_space<vmem_shared>>)
        tpu.yield
      }) : () -> ()
    }
    %scan3A_23 = arith.constant 40 : i32
    %barrier3A_24 = arith.constant 0 : index
    tpu.barrier barrier_id(%barrier3A_24)
    %mul3A_25 = arith.constant 640 : i32
    %mul3A_26 = arith.muli %arg1, %mul3A_25 : i32
    %mul3A_27 = arith.constant 640 : i32
    %mul3A_28 = arith.muli %arg1, %mul3A_27 : i32
    "tpu.region"() ({
      %run_scoped3A = tpu.sem_alloc : memref<!tpu.dma_semaphore, #tpu.memory_space<semaphore_mem>>
      %dma_start3A_29 = arith.constant 0 : i32
      %dma_start3A_30 = arith.constant 0 : i32
      %dma_start3A_31 = tpu.memref_slice %arg5[%arg0, %dma_start3A_29, %dma_start3A_30] : memref<2x10240x64xf32, #tpu.memory_space<hbm>> -> memref<1x10240x64xf32, #tpu.memory_space<hbm>>
      %dma_start3A_32 = tpu.memref_squeeze %dma_start3A_31 : memref<1x10240x64xf32, #tpu.memory_space<hbm>> -> memref<10240x64xf32, #tpu.memory_space<hbm>>
      %dma_start3A_33 = arith.constant 0 : i32
      %dma_start3A_34 = tpu.memref_slice %dma_start3A_32[%mul3A_28, %dma_start3A_33] : memref<10240x64xf32, #tpu.memory_space<hbm>> -> memref<640x64xf32, #tpu.memory_space<hbm>>
      %dma_start3A_35 = arith.constant 0 : i32
      %dma_start3A_36 = tpu.memref_slice %arg6[%mul3A_26, %dma_start3A_35] : memref<10240x64xf32, #tpu.memory_space<vmem_shared>> -> memref<640x64xf32, #tpu.memory_space<vmem_shared>>
      tpu.enqueue_dma source(%dma_start3A_36 : memref<640x64xf32, #tpu.memory_space<vmem_shared>>) target(%dma_start3A_34 : memref<640x64xf32, #tpu.memory_space<hbm>>) target_semaphore(%run_scoped3A : memref<!tpu.dma_semaphore, #tpu.memory_space<semaphore_mem>>)
      %dma_wait3A = arith.constant 0 : i32
      %dma_wait3A_37 = arith.constant 0 : i32
      %dma_wait3A_38 = tpu.memref_slice %arg5[%arg0, %dma_wait3A, %dma_wait3A_37] : memref<2x10240x64xf32, #tpu.memory_space<hbm>> -> memref<1x10240x64xf32, #tpu.memory_space<hbm>>
      %dma_wait3A_39 = tpu.memref_squeeze %dma_wait3A_38 : memref<1x10240x64xf32, #tpu.memory_space<hbm>> -> memref<10240x64xf32, #tpu.memory_space<hbm>>
      %dma_wait3A_40 = arith.constant 0 : i32
      %dma_wait3A_41 = tpu.memref_slice %dma_wait3A_39[%mul3A_28, %dma_wait3A_40] : memref<10240x64xf32, #tpu.memory_space<hbm>> -> memref<640x64xf32, #tpu.memory_space<hbm>>
      %dma_wait3A_42 = arith.constant 0 : i32
      %dma_wait3A_43 = tpu.memref_slice %arg6[%mul3A_26, %dma_wait3A_42] : memref<10240x64xf32, #tpu.memory_space<vmem_shared>> -> memref<640x64xf32, #tpu.memory_space<vmem_shared>>
      tpu.wait_dma2 semaphore(%run_scoped3A : memref<!tpu.dma_semaphore, #tpu.memory_space<semaphore_mem>>) src(%dma_wait3A_43 : memref<640x64xf32, #tpu.memory_space<vmem_shared>>) dst(%dma_wait3A_41 : memref<640x64xf32, #tpu.memory_space<hbm>>)
      tpu.yield
    }) : () -> ()
    return
  }
}

#map = affine_map<(d0, d1) -> (0, 0)>
#map1 = affine_map<(d0, d1) -> (0, 0, 0)>
module attributes {stable_mosaic.version = 14 : i64} {
  func.func @_sc_gather_body(%arg0: i32, %arg1: i32, %arg2: memref<10008x48xf32, #tpu.memory_space<hbm>>, %arg3: memref<10000x16xf32, #tpu.memory_space<hbm>>, %arg4: memref<32x40x128xi32, #tpu.memory_space<hbm>>, %arg5: memref<32x40x128xi32, #tpu.memory_space<hbm>>, %arg6: memref<163840x64xf32, #tpu.memory_space<hbm>>, %arg7: memref<40x128xi32, #tpu.memory_space<vmem>>, %arg8: memref<40x128xi32, #tpu.memory_space<vmem>>, %arg9: memref<3x128x48xf32, #tpu.memory_space<vmem>>, %arg10: memref<3x128x16xf32, #tpu.memory_space<vmem>>, %arg11: memref<!tpu.dma_semaphore, #tpu.memory_space<semaphore_mem>>, %arg12: memref<!tpu.dma_semaphore, #tpu.memory_space<semaphore_mem>>, %arg13: memref<!tpu.dma_semaphore, #tpu.memory_space<semaphore_mem>>) attributes {dimension_semantics = [#tpu.dimension_semantics<core_parallel>, #tpu.dimension_semantics<subcore_parallel>], iteration_bounds = array<i64: 2, 16>, scalar_prefetch = 0 : i64, scratch_operands = 7 : i64, tpu.core_type = #tpu.core_type<sc_vector_subcore>, window_params = [{transform_indices = #map}, {transform_indices = #map}, {transform_indices = #map1}, {transform_indices = #map1}, {transform_indices = #map}]} {
    %mul3A = arith.constant 2 : i32
    %mul3A_0 = arith.muli %arg1, %mul3A : i32
    %add3A = arith.addi %mul3A_0, %arg0 : i32
    "tpu.region"() ({
      %run_scoped3A = tpu.sem_alloc : memref<!tpu.dma_semaphore, #tpu.memory_space<semaphore_mem>>
      %dma_start3A_84 = arith.constant 0 : i32
      %dma_start3A_85 = arith.constant 0 : i32
      %dma_start3A_86 = tpu.memref_slice %arg4[%add3A, %dma_start3A_84, %dma_start3A_85] : memref<32x40x128xi32, #tpu.memory_space<hbm>> -> memref<1x40x128xi32, #tpu.memory_space<hbm>>
      %dma_start3A_87 = tpu.memref_squeeze %dma_start3A_86 : memref<1x40x128xi32, #tpu.memory_space<hbm>> -> memref<40x128xi32, #tpu.memory_space<hbm>>
      %dma_start3A_88 = arith.constant 0 : i32
      %dma_start3A_89 = arith.constant 0 : i32
      %dma_start3A_90 = tpu.memref_slice %arg4[%add3A, %dma_start3A_88, %dma_start3A_89] : memref<32x40x128xi32, #tpu.memory_space<hbm>> -> memref<1x40x128xi32, #tpu.memory_space<hbm>>
      %dma_start3A_91 = tpu.memref_squeeze %dma_start3A_90 : memref<1x40x128xi32, #tpu.memory_space<hbm>> -> memref<40x128xi32, #tpu.memory_space<hbm>>
      tpu.enqueue_dma source(%dma_start3A_91 : memref<40x128xi32, #tpu.memory_space<hbm>>) target(%arg7 : memref<40x128xi32, #tpu.memory_space<vmem>>) target_semaphore(%run_scoped3A : memref<!tpu.dma_semaphore, #tpu.memory_space<semaphore_mem>>)
      %dma_wait3A_92 = arith.constant 0 : i32
      %dma_wait3A_93 = arith.constant 0 : i32
      %dma_wait3A_94 = tpu.memref_slice %arg4[%add3A, %dma_wait3A_92, %dma_wait3A_93] : memref<32x40x128xi32, #tpu.memory_space<hbm>> -> memref<1x40x128xi32, #tpu.memory_space<hbm>>
      %dma_wait3A_95 = tpu.memref_squeeze %dma_wait3A_94 : memref<1x40x128xi32, #tpu.memory_space<hbm>> -> memref<40x128xi32, #tpu.memory_space<hbm>>
      %dma_wait3A_96 = arith.constant 0 : i32
      %dma_wait3A_97 = arith.constant 0 : i32
      %dma_wait3A_98 = tpu.memref_slice %arg4[%add3A, %dma_wait3A_96, %dma_wait3A_97] : memref<32x40x128xi32, #tpu.memory_space<hbm>> -> memref<1x40x128xi32, #tpu.memory_space<hbm>>
      %dma_wait3A_99 = tpu.memref_squeeze %dma_wait3A_98 : memref<1x40x128xi32, #tpu.memory_space<hbm>> -> memref<40x128xi32, #tpu.memory_space<hbm>>
      tpu.wait_dma2 semaphore(%run_scoped3A : memref<!tpu.dma_semaphore, #tpu.memory_space<semaphore_mem>>) src(%dma_wait3A_99 : memref<40x128xi32, #tpu.memory_space<hbm>>) dst(%arg7 : memref<40x128xi32, #tpu.memory_space<vmem>>)
      tpu.yield
    }) : () -> ()
    "tpu.region"() ({
      %run_scoped3A = tpu.sem_alloc : memref<!tpu.dma_semaphore, #tpu.memory_space<semaphore_mem>>
      %dma_start3A_84 = arith.constant 0 : i32
      %dma_start3A_85 = arith.constant 0 : i32
      %dma_start3A_86 = tpu.memref_slice %arg5[%add3A, %dma_start3A_84, %dma_start3A_85] : memref<32x40x128xi32, #tpu.memory_space<hbm>> -> memref<1x40x128xi32, #tpu.memory_space<hbm>>
      %dma_start3A_87 = tpu.memref_squeeze %dma_start3A_86 : memref<1x40x128xi32, #tpu.memory_space<hbm>> -> memref<40x128xi32, #tpu.memory_space<hbm>>
      %dma_start3A_88 = arith.constant 0 : i32
      %dma_start3A_89 = arith.constant 0 : i32
      %dma_start3A_90 = tpu.memref_slice %arg5[%add3A, %dma_start3A_88, %dma_start3A_89] : memref<32x40x128xi32, #tpu.memory_space<hbm>> -> memref<1x40x128xi32, #tpu.memory_space<hbm>>
      %dma_start3A_91 = tpu.memref_squeeze %dma_start3A_90 : memref<1x40x128xi32, #tpu.memory_space<hbm>> -> memref<40x128xi32, #tpu.memory_space<hbm>>
      tpu.enqueue_dma source(%dma_start3A_91 : memref<40x128xi32, #tpu.memory_space<hbm>>) target(%arg8 : memref<40x128xi32, #tpu.memory_space<vmem>>) target_semaphore(%run_scoped3A : memref<!tpu.dma_semaphore, #tpu.memory_space<semaphore_mem>>)
      %dma_wait3A_92 = arith.constant 0 : i32
      %dma_wait3A_93 = arith.constant 0 : i32
      %dma_wait3A_94 = tpu.memref_slice %arg5[%add3A, %dma_wait3A_92, %dma_wait3A_93] : memref<32x40x128xi32, #tpu.memory_space<hbm>> -> memref<1x40x128xi32, #tpu.memory_space<hbm>>
      %dma_wait3A_95 = tpu.memref_squeeze %dma_wait3A_94 : memref<1x40x128xi32, #tpu.memory_space<hbm>> -> memref<40x128xi32, #tpu.memory_space<hbm>>
      %dma_wait3A_96 = arith.constant 0 : i32
      %dma_wait3A_97 = arith.constant 0 : i32
      %dma_wait3A_98 = tpu.memref_slice %arg5[%add3A, %dma_wait3A_96, %dma_wait3A_97] : memref<32x40x128xi32, #tpu.memory_space<hbm>> -> memref<1x40x128xi32, #tpu.memory_space<hbm>>
      %dma_wait3A_99 = tpu.memref_squeeze %dma_wait3A_98 : memref<1x40x128xi32, #tpu.memory_space<hbm>> -> memref<40x128xi32, #tpu.memory_space<hbm>>
      tpu.wait_dma2 semaphore(%run_scoped3A : memref<!tpu.dma_semaphore, #tpu.memory_space<semaphore_mem>>) src(%dma_wait3A_99 : memref<40x128xi32, #tpu.memory_space<hbm>>) dst(%arg8 : memref<40x128xi32, #tpu.memory_space<vmem>>)
      tpu.yield
    }) : () -> ()
    %dma_start3A = arith.constant 0 : i32
    %dma_start3A_1 = arith.constant 0 : i32
    %dma_start3A_2 = arith.constant 0 : i32
    %dma_start3A_3 = arith.constant 0 : i32
    %dma_start3A_4 = tpu.memref_slice %arg9[%dma_start3A_1, %dma_start3A_2, %dma_start3A_3] : memref<3x128x48xf32, #tpu.memory_space<vmem>> -> memref<1x128x48xf32, #tpu.memory_space<vmem>>
    %dma_start3A_5 = tpu.memref_squeeze %dma_start3A_4 : memref<1x128x48xf32, #tpu.memory_space<vmem>> -> memref<128x48xf32, #tpu.memory_space<vmem>>
    %dma_start3A_6 = arith.constant 0 : i32
    %dma_start3A_7 = tpu.memref_slice %arg7[%dma_start3A, %dma_start3A_6] : memref<40x128xi32, #tpu.memory_space<vmem>> -> memref<1x128xi32, #tpu.memory_space<vmem>>
    %dma_start3A_8 = tpu.memref_squeeze %dma_start3A_7 : memref<1x128xi32, #tpu.memory_space<vmem>> -> memref<128xi32, #tpu.memory_space<vmem>>
    %dma_start3A_9 = arith.constant 0 : i32
    %dma_start3A_10 = arith.constant 0 : i32
    %dma_start3A_11 = tpu.memref_slice %arg2[%dma_start3A_9, %dma_start3A_10] : memref<10008x48xf32, #tpu.memory_space<hbm>> -> memref<10008x48xf32, #tpu.memory_space<hbm>>
    tpu.enqueue_indirect_dma source(%dma_start3A_11 : memref<10008x48xf32, #tpu.memory_space<hbm>>) target(%dma_start3A_5 : memref<128x48xf32, #tpu.memory_space<vmem>>) offsets(%dma_start3A_8 : memref<128xi32, #tpu.memory_space<vmem>>) semaphore(%arg11 : memref<!tpu.dma_semaphore, #tpu.memory_space<semaphore_mem>>)
    %dma_start3A_12 = arith.constant 0 : i32
    %dma_start3A_13 = arith.constant 0 : i32
    %dma_start3A_14 = arith.constant 0 : i32
    %dma_start3A_15 = arith.constant 0 : i32
    %dma_start3A_16 = tpu.memref_slice %arg10[%dma_start3A_13, %dma_start3A_14, %dma_start3A_15] : memref<3x128x16xf32, #tpu.memory_space<vmem>> -> memref<1x128x16xf32, #tpu.memory_space<vmem>>
    %dma_start3A_17 = tpu.memref_squeeze %dma_start3A_16 : memref<1x128x16xf32, #tpu.memory_space<vmem>> -> memref<128x16xf32, #tpu.memory_space<vmem>>
    %dma_start3A_18 = arith.constant 0 : i32
    %dma_start3A_19 = tpu.memref_slice %arg8[%dma_start3A_12, %dma_start3A_18] : memref<40x128xi32, #tpu.memory_space<vmem>> -> memref<1x128xi32, #tpu.memory_space<vmem>>
    %dma_start3A_20 = tpu.memref_squeeze %dma_start3A_19 : memref<1x128xi32, #tpu.memory_space<vmem>> -> memref<128xi32, #tpu.memory_space<vmem>>
    %dma_start3A_21 = arith.constant 0 : i32
    %dma_start3A_22 = arith.constant 0 : i32
    %dma_start3A_23 = tpu.memref_slice %arg3[%dma_start3A_21, %dma_start3A_22] : memref<10000x16xf32, #tpu.memory_space<hbm>> -> memref<10000x16xf32, #tpu.memory_space<hbm>>
    tpu.enqueue_indirect_dma source(%dma_start3A_23 : memref<10000x16xf32, #tpu.memory_space<hbm>>) target(%dma_start3A_17 : memref<128x16xf32, #tpu.memory_space<vmem>>) offsets(%dma_start3A_20 : memref<128xi32, #tpu.memory_space<vmem>>) semaphore(%arg12 : memref<!tpu.dma_semaphore, #tpu.memory_space<semaphore_mem>>)
    %dma_start3A_24 = arith.constant 1 : i32
    %dma_start3A_25 = arith.constant 1 : i32
    %dma_start3A_26 = arith.constant 0 : i32
    %dma_start3A_27 = arith.constant 0 : i32
    %dma_start3A_28 = tpu.memref_slice %arg9[%dma_start3A_25, %dma_start3A_26, %dma_start3A_27] : memref<3x128x48xf32, #tpu.memory_space<vmem>> -> memref<1x128x48xf32, #tpu.memory_space<vmem>>
    %dma_start3A_29 = tpu.memref_squeeze %dma_start3A_28 : memref<1x128x48xf32, #tpu.memory_space<vmem>> -> memref<128x48xf32, #tpu.memory_space<vmem>>
    %dma_start3A_30 = arith.constant 0 : i32
    %dma_start3A_31 = tpu.memref_slice %arg7[%dma_start3A_24, %dma_start3A_30] : memref<40x128xi32, #tpu.memory_space<vmem>> -> memref<1x128xi32, #tpu.memory_space<vmem>>
    %dma_start3A_32 = tpu.memref_squeeze %dma_start3A_31 : memref<1x128xi32, #tpu.memory_space<vmem>> -> memref<128xi32, #tpu.memory_space<vmem>>
    %dma_start3A_33 = arith.constant 0 : i32
    %dma_start3A_34 = arith.constant 0 : i32
    %dma_start3A_35 = tpu.memref_slice %arg2[%dma_start3A_33, %dma_start3A_34] : memref<10008x48xf32, #tpu.memory_space<hbm>> -> memref<10008x48xf32, #tpu.memory_space<hbm>>
    tpu.enqueue_indirect_dma source(%dma_start3A_35 : memref<10008x48xf32, #tpu.memory_space<hbm>>) target(%dma_start3A_29 : memref<128x48xf32, #tpu.memory_space<vmem>>) offsets(%dma_start3A_32 : memref<128xi32, #tpu.memory_space<vmem>>) semaphore(%arg11 : memref<!tpu.dma_semaphore, #tpu.memory_space<semaphore_mem>>)
    %dma_start3A_36 = arith.constant 1 : i32
    %dma_start3A_37 = arith.constant 1 : i32
    %dma_start3A_38 = arith.constant 0 : i32
    %dma_start3A_39 = arith.constant 0 : i32
    %dma_start3A_40 = tpu.memref_slice %arg10[%dma_start3A_37, %dma_start3A_38, %dma_start3A_39] : memref<3x128x16xf32, #tpu.memory_space<vmem>> -> memref<1x128x16xf32, #tpu.memory_space<vmem>>
    %dma_start3A_41 = tpu.memref_squeeze %dma_start3A_40 : memref<1x128x16xf32, #tpu.memory_space<vmem>> -> memref<128x16xf32, #tpu.memory_space<vmem>>
    %dma_start3A_42 = arith.constant 0 : i32
    %dma_start3A_43 = tpu.memref_slice %arg8[%dma_start3A_36, %dma_start3A_42] : memref<40x128xi32, #tpu.memory_space<vmem>> -> memref<1x128xi32, #tpu.memory_space<vmem>>
    %dma_start3A_44 = tpu.memref_squeeze %dma_start3A_43 : memref<1x128xi32, #tpu.memory_space<vmem>> -> memref<128xi32, #tpu.memory_space<vmem>>
    %dma_start3A_45 = arith.constant 0 : i32
    %dma_start3A_46 = arith.constant 0 : i32
    %dma_start3A_47 = tpu.memref_slice %arg3[%dma_start3A_45, %dma_start3A_46] : memref<10000x16xf32, #tpu.memory_space<hbm>> -> memref<10000x16xf32, #tpu.memory_space<hbm>>
    tpu.enqueue_indirect_dma source(%dma_start3A_47 : memref<10000x16xf32, #tpu.memory_space<hbm>>) target(%dma_start3A_41 : memref<128x16xf32, #tpu.memory_space<vmem>>) offsets(%dma_start3A_44 : memref<128xi32, #tpu.memory_space<vmem>>) semaphore(%arg12 : memref<!tpu.dma_semaphore, #tpu.memory_space<semaphore_mem>>)
    %scan3A = arith.constant 0 : i32
    %scan3A_48 = arith.constant 0 : i32
    %scan3A_49 = arith.constant 40 : i32
    %scan3A_50 = arith.addi %scan3A_48, %scan3A_49 : i32
    %scan3A_51 = arith.constant 1 : i32
    scf.for %scan3A_84 = %scan3A_48 to %scan3A_50 step %scan3A_51  : i32 {
      %rem3A_85 = arith.constant 3 : i32
      %rem3A_86 = arith.remsi %scan3A_84, %rem3A_85 : i32
      %mul3A_87 = arith.constant 40 : i32
      %mul3A_88 = arith.muli %add3A, %mul3A_87 : i32
      %add3A_89 = arith.addi %mul3A_88, %scan3A_84 : i32
      %mul3A_90 = arith.constant 128 : i32
      %mul3A_91 = arith.muli %add3A_89, %mul3A_90 : i32
      %gt3A = arith.constant 0 : i32
      %gt3A_92 = arith.cmpi sgt, %scan3A_84, %gt3A : i32
      %convert_element_type3A = arith.extui %gt3A_92 : i1 to i32
      %cond3A = arith.constant 0 : i32
      %cond3A_93 = arith.cmpi ne, %convert_element_type3A, %cond3A : i32
      scf.if %cond3A_93 {
        %sub3A = arith.constant 1 : i32
        %sub3A_144 = arith.subi %scan3A_84, %sub3A : i32
        %mul3A_145 = arith.constant 40 : i32
        %mul3A_146 = arith.muli %add3A, %mul3A_145 : i32
        %add3A_147 = arith.addi %mul3A_146, %sub3A_144 : i32
        %mul3A_148 = arith.constant 128 : i32
        %mul3A_149 = arith.muli %add3A_147, %mul3A_148 : i32
        %rem3A_150 = arith.constant 3 : i32
        %rem3A_151 = arith.remsi %sub3A_144, %rem3A_150 : i32
        %dma_wait3A_152 = arith.constant 0 : i32
        %dma_wait3A_153 = arith.constant 0 : i32
        %dma_wait3A_154 = tpu.memref_slice %arg9[%rem3A_151, %dma_wait3A_152, %dma_wait3A_153] : memref<3x128x48xf32, #tpu.memory_space<vmem>> -> memref<1x128x48xf32, #tpu.memory_space<vmem>>
        %dma_wait3A_155 = tpu.memref_squeeze %dma_wait3A_154 : memref<1x128x48xf32, #tpu.memory_space<vmem>> -> memref<128x48xf32, #tpu.memory_space<vmem>>
        %dma_wait3A_156 = arith.constant 0 : i32
        %dma_wait3A_157 = tpu.memref_slice %arg6[%mul3A_149, %dma_wait3A_156] : memref<163840x64xf32, #tpu.memory_space<hbm>> -> memref<128x48xf32, #tpu.memory_space<hbm>>
        %dma_wait3A_158 = arith.constant 0 : i32
        %dma_wait3A_159 = tpu.memref_slice %arg6[%mul3A_149, %dma_wait3A_158] : memref<163840x64xf32, #tpu.memory_space<hbm>> -> memref<128x48xf32, #tpu.memory_space<hbm>>
        %dma_wait3A_160 = arith.constant 0 : i32
        %dma_wait3A_161 = arith.constant 0 : i32
        %dma_wait3A_162 = tpu.memref_slice %arg9[%rem3A_151, %dma_wait3A_160, %dma_wait3A_161] : memref<3x128x48xf32, #tpu.memory_space<vmem>> -> memref<1x128x48xf32, #tpu.memory_space<vmem>>
        %dma_wait3A_163 = tpu.memref_squeeze %dma_wait3A_162 : memref<1x128x48xf32, #tpu.memory_space<vmem>> -> memref<128x48xf32, #tpu.memory_space<vmem>>
        tpu.wait_dma2 semaphore(%arg13 : memref<!tpu.dma_semaphore, #tpu.memory_space<semaphore_mem>>) src(%dma_wait3A_163 : memref<128x48xf32, #tpu.memory_space<vmem>>) dst(%dma_wait3A_159 : memref<128x48xf32, #tpu.memory_space<hbm>>)
        %dma_wait3A_164 = arith.constant 0 : i32
        %dma_wait3A_165 = arith.constant 0 : i32
        %dma_wait3A_166 = tpu.memref_slice %arg10[%rem3A_151, %dma_wait3A_164, %dma_wait3A_165] : memref<3x128x16xf32, #tpu.memory_space<vmem>> -> memref<1x128x16xf32, #tpu.memory_space<vmem>>
        %dma_wait3A_167 = tpu.memref_squeeze %dma_wait3A_166 : memref<1x128x16xf32, #tpu.memory_space<vmem>> -> memref<128x16xf32, #tpu.memory_space<vmem>>
        %dma_wait3A_168 = arith.constant 48 : i32
        %dma_wait3A_169 = tpu.memref_slice %arg6[%mul3A_149, %dma_wait3A_168] : memref<163840x64xf32, #tpu.memory_space<hbm>> -> memref<128x16xf32, #tpu.memory_space<hbm>>
        %dma_wait3A_170 = arith.constant 48 : i32
        %dma_wait3A_171 = tpu.memref_slice %arg6[%mul3A_149, %dma_wait3A_170] : memref<163840x64xf32, #tpu.memory_space<hbm>> -> memref<128x16xf32, #tpu.memory_space<hbm>>
        %dma_wait3A_172 = arith.constant 0 : i32
        %dma_wait3A_173 = arith.constant 0 : i32
        %dma_wait3A_174 = tpu.memref_slice %arg10[%rem3A_151, %dma_wait3A_172, %dma_wait3A_173] : memref<3x128x16xf32, #tpu.memory_space<vmem>> -> memref<1x128x16xf32, #tpu.memory_space<vmem>>
        %dma_wait3A_175 = tpu.memref_squeeze %dma_wait3A_174 : memref<1x128x16xf32, #tpu.memory_space<vmem>> -> memref<128x16xf32, #tpu.memory_space<vmem>>
        tpu.wait_dma2 semaphore(%arg13 : memref<!tpu.dma_semaphore, #tpu.memory_space<semaphore_mem>>) src(%dma_wait3A_175 : memref<128x16xf32, #tpu.memory_space<vmem>>) dst(%dma_wait3A_171 : memref<128x16xf32, #tpu.memory_space<hbm>>)
      } else {
      }
      %add3A_94 = arith.constant 2 : i32
      %add3A_95 = arith.addi %scan3A_84, %add3A_94 : i32
      %lt3A = arith.constant 40 : i32
      %lt3A_96 = arith.cmpi slt, %add3A_95, %lt3A : i32
      %convert_element_type3A_97 = arith.extui %lt3A_96 : i1 to i32
      %cond3A_98 = arith.constant 0 : i32
      %cond3A_99 = arith.cmpi ne, %convert_element_type3A_97, %cond3A_98 : i32
      scf.if %cond3A_99 {
        %add3A_144 = arith.constant 2 : i32
        %add3A_145 = arith.addi %scan3A_84, %add3A_144 : i32
        %rem3A_146 = arith.constant 3 : i32
        %rem3A_147 = arith.remsi %add3A_145, %rem3A_146 : i32
        %add3A_148 = arith.constant 2 : i32
        %add3A_149 = arith.addi %scan3A_84, %add3A_148 : i32
        %dma_start3A_150 = arith.constant 0 : i32
        %dma_start3A_151 = arith.constant 0 : i32
        %dma_start3A_152 = tpu.memref_slice %arg9[%rem3A_147, %dma_start3A_150, %dma_start3A_151] : memref<3x128x48xf32, #tpu.memory_space<vmem>> -> memref<1x128x48xf32, #tpu.memory_space<vmem>>
        %dma_start3A_153 = tpu.memref_squeeze %dma_start3A_152 : memref<1x128x48xf32, #tpu.memory_space<vmem>> -> memref<128x48xf32, #tpu.memory_space<vmem>>
        %dma_start3A_154 = arith.constant 0 : i32
        %dma_start3A_155 = tpu.memref_slice %arg7[%add3A_149, %dma_start3A_154] : memref<40x128xi32, #tpu.memory_space<vmem>> -> memref<1x128xi32, #tpu.memory_space<vmem>>
        %dma_start3A_156 = tpu.memref_squeeze %dma_start3A_155 : memref<1x128xi32, #tpu.memory_space<vmem>> -> memref<128xi32, #tpu.memory_space<vmem>>
        %dma_start3A_157 = arith.constant 0 : i32
        %dma_start3A_158 = arith.constant 0 : i32
        %dma_start3A_159 = tpu.memref_slice %arg2[%dma_start3A_157, %dma_start3A_158] : memref<10008x48xf32, #tpu.memory_space<hbm>> -> memref<10008x48xf32, #tpu.memory_space<hbm>>
        tpu.enqueue_indirect_dma source(%dma_start3A_159 : memref<10008x48xf32, #tpu.memory_space<hbm>>) target(%dma_start3A_153 : memref<128x48xf32, #tpu.memory_space<vmem>>) offsets(%dma_start3A_156 : memref<128xi32, #tpu.memory_space<vmem>>) semaphore(%arg11 : memref<!tpu.dma_semaphore, #tpu.memory_space<semaphore_mem>>)
        %add3A_160 = arith.constant 2 : i32
        %add3A_161 = arith.addi %scan3A_84, %add3A_160 : i32
        %dma_start3A_162 = arith.constant 0 : i32
        %dma_start3A_163 = arith.constant 0 : i32
        %dma_start3A_164 = tpu.memref_slice %arg10[%rem3A_147, %dma_start3A_162, %dma_start3A_163] : memref<3x128x16xf32, #tpu.memory_space<vmem>> -> memref<1x128x16xf32, #tpu.memory_space<vmem>>
        %dma_start3A_165 = tpu.memref_squeeze %dma_start3A_164 : memref<1x128x16xf32, #tpu.memory_space<vmem>> -> memref<128x16xf32, #tpu.memory_space<vmem>>
        %dma_start3A_166 = arith.constant 0 : i32
        %dma_start3A_167 = tpu.memref_slice %arg8[%add3A_161, %dma_start3A_166] : memref<40x128xi32, #tpu.memory_space<vmem>> -> memref<1x128xi32, #tpu.memory_space<vmem>>
        %dma_start3A_168 = tpu.memref_squeeze %dma_start3A_167 : memref<1x128xi32, #tpu.memory_space<vmem>> -> memref<128xi32, #tpu.memory_space<vmem>>
        %dma_start3A_169 = arith.constant 0 : i32
        %dma_start3A_170 = arith.constant 0 : i32
        %dma_start3A_171 = tpu.memref_slice %arg3[%dma_start3A_169, %dma_start3A_170] : memref<10000x16xf32, #tpu.memory_space<hbm>> -> memref<10000x16xf32, #tpu.memory_space<hbm>>
        tpu.enqueue_indirect_dma source(%dma_start3A_171 : memref<10000x16xf32, #tpu.memory_space<hbm>>) target(%dma_start3A_165 : memref<128x16xf32, #tpu.memory_space<vmem>>) offsets(%dma_start3A_168 : memref<128xi32, #tpu.memory_space<vmem>>) semaphore(%arg12 : memref<!tpu.dma_semaphore, #tpu.memory_space<semaphore_mem>>)
      } else {
      }
      %dma_wait3A_100 = arith.constant 0 : i32
      %dma_wait3A_101 = arith.constant 0 : i32
      %dma_wait3A_102 = tpu.memref_slice %arg9[%rem3A_86, %dma_wait3A_100, %dma_wait3A_101] : memref<3x128x48xf32, #tpu.memory_space<vmem>> -> memref<1x128x48xf32, #tpu.memory_space<vmem>>
      %dma_wait3A_103 = tpu.memref_squeeze %dma_wait3A_102 : memref<1x128x48xf32, #tpu.memory_space<vmem>> -> memref<128x48xf32, #tpu.memory_space<vmem>>
      %dma_wait3A_104 = arith.constant 0 : i32
      %dma_wait3A_105 = tpu.memref_slice %arg7[%scan3A_84, %dma_wait3A_104] : memref<40x128xi32, #tpu.memory_space<vmem>> -> memref<1x128xi32, #tpu.memory_space<vmem>>
      %dma_wait3A_106 = tpu.memref_squeeze %dma_wait3A_105 : memref<1x128xi32, #tpu.memory_space<vmem>> -> memref<128xi32, #tpu.memory_space<vmem>>
      %dma_wait3A_107 = arith.constant 0 : i32
      %dma_wait3A_108 = arith.constant 0 : i32
      %dma_wait3A_109 = tpu.memref_slice %arg2[%dma_wait3A_107, %dma_wait3A_108] : memref<10008x48xf32, #tpu.memory_space<hbm>> -> memref<10008x48xf32, #tpu.memory_space<hbm>>
      tpu.wait_indirect_dma semaphore(%arg11 : memref<!tpu.dma_semaphore, #tpu.memory_space<semaphore_mem>>) src(%dma_wait3A_109 : memref<10008x48xf32, #tpu.memory_space<hbm>>) dst(%dma_wait3A_103 : memref<128x48xf32, #tpu.memory_space<vmem>>)
      %dma_wait3A_110 = arith.constant 0 : i32
      %dma_wait3A_111 = arith.constant 0 : i32
      %dma_wait3A_112 = tpu.memref_slice %arg10[%rem3A_86, %dma_wait3A_110, %dma_wait3A_111] : memref<3x128x16xf32, #tpu.memory_space<vmem>> -> memref<1x128x16xf32, #tpu.memory_space<vmem>>
      %dma_wait3A_113 = tpu.memref_squeeze %dma_wait3A_112 : memref<1x128x16xf32, #tpu.memory_space<vmem>> -> memref<128x16xf32, #tpu.memory_space<vmem>>
      %dma_wait3A_114 = arith.constant 0 : i32
      %dma_wait3A_115 = tpu.memref_slice %arg8[%scan3A_84, %dma_wait3A_114] : memref<40x128xi32, #tpu.memory_space<vmem>> -> memref<1x128xi32, #tpu.memory_space<vmem>>
      %dma_wait3A_116 = tpu.memref_squeeze %dma_wait3A_115 : memref<1x128xi32, #tpu.memory_space<vmem>> -> memref<128xi32, #tpu.memory_space<vmem>>
      %dma_wait3A_117 = arith.constant 0 : i32
      %dma_wait3A_118 = arith.constant 0 : i32
      %dma_wait3A_119 = tpu.memref_slice %arg3[%dma_wait3A_117, %dma_wait3A_118] : memref<10000x16xf32, #tpu.memory_space<hbm>> -> memref<10000x16xf32, #tpu.memory_space<hbm>>
      tpu.wait_indirect_dma semaphore(%arg12 : memref<!tpu.dma_semaphore, #tpu.memory_space<semaphore_mem>>) src(%dma_wait3A_119 : memref<10000x16xf32, #tpu.memory_space<hbm>>) dst(%dma_wait3A_113 : memref<128x16xf32, #tpu.memory_space<vmem>>)
      %dma_start3A_120 = arith.constant 0 : i32
      %dma_start3A_121 = arith.constant 0 : i32
      %dma_start3A_122 = tpu.memref_slice %arg9[%rem3A_86, %dma_start3A_120, %dma_start3A_121] : memref<3x128x48xf32, #tpu.memory_space<vmem>> -> memref<1x128x48xf32, #tpu.memory_space<vmem>>
      %dma_start3A_123 = tpu.memref_squeeze %dma_start3A_122 : memref<1x128x48xf32, #tpu.memory_space<vmem>> -> memref<128x48xf32, #tpu.memory_space<vmem>>
      %dma_start3A_124 = arith.constant 0 : i32
      %dma_start3A_125 = tpu.memref_slice %arg6[%mul3A_91, %dma_start3A_124] : memref<163840x64xf32, #tpu.memory_space<hbm>> -> memref<128x48xf32, #tpu.memory_space<hbm>>
      %dma_start3A_126 = arith.constant 0 : i32
      %dma_start3A_127 = tpu.memref_slice %arg6[%mul3A_91, %dma_start3A_126] : memref<163840x64xf32, #tpu.memory_space<hbm>> -> memref<128x48xf32, #tpu.memory_space<hbm>>
      %dma_start3A_128 = arith.constant 0 : i32
      %dma_start3A_129 = arith.constant 0 : i32
      %dma_start3A_130 = tpu.memref_slice %arg9[%rem3A_86, %dma_start3A_128, %dma_start3A_129] : memref<3x128x48xf32, #tpu.memory_space<vmem>> -> memref<1x128x48xf32, #tpu.memory_space<vmem>>
      %dma_start3A_131 = tpu.memref_squeeze %dma_start3A_130 : memref<1x128x48xf32, #tpu.memory_space<vmem>> -> memref<128x48xf32, #tpu.memory_space<vmem>>
      tpu.enqueue_dma source(%dma_start3A_131 : memref<128x48xf32, #tpu.memory_space<vmem>>) target(%dma_start3A_127 : memref<128x48xf32, #tpu.memory_space<hbm>>) target_semaphore(%arg13 : memref<!tpu.dma_semaphore, #tpu.memory_space<semaphore_mem>>)
      %dma_start3A_132 = arith.constant 0 : i32
      %dma_start3A_133 = arith.constant 0 : i32
      %dma_start3A_134 = tpu.memref_slice %arg10[%rem3A_86, %dma_start3A_132, %dma_start3A_133] : memref<3x128x16xf32, #tpu.memory_space<vmem>> -> memref<1x128x16xf32, #tpu.memory_space<vmem>>
      %dma_start3A_135 = tpu.memref_squeeze %dma_start3A_134 : memref<1x128x16xf32, #tpu.memory_space<vmem>> -> memref<128x16xf32, #tpu.memory_space<vmem>>
      %dma_start3A_136 = arith.constant 48 : i32
      %dma_start3A_137 = tpu.memref_slice %arg6[%mul3A_91, %dma_start3A_136] : memref<163840x64xf32, #tpu.memory_space<hbm>> -> memref<128x16xf32, #tpu.memory_space<hbm>>
      %dma_start3A_138 = arith.constant 48 : i32
      %dma_start3A_139 = tpu.memref_slice %arg6[%mul3A_91, %dma_start3A_138] : memref<163840x64xf32, #tpu.memory_space<hbm>> -> memref<128x16xf32, #tpu.memory_space<hbm>>
      %dma_start3A_140 = arith.constant 0 : i32
      %dma_start3A_141 = arith.constant 0 : i32
      %dma_start3A_142 = tpu.memref_slice %arg10[%rem3A_86, %dma_start3A_140, %dma_start3A_141] : memref<3x128x16xf32, #tpu.memory_space<vmem>> -> memref<1x128x16xf32, #tpu.memory_space<vmem>>
      %dma_start3A_143 = tpu.memref_squeeze %dma_start3A_142 : memref<1x128x16xf32, #tpu.memory_space<vmem>> -> memref<128x16xf32, #tpu.memory_space<vmem>>
      tpu.enqueue_dma source(%dma_start3A_143 : memref<128x16xf32, #tpu.memory_space<vmem>>) target(%dma_start3A_139 : memref<128x16xf32, #tpu.memory_space<hbm>>) target_semaphore(%arg13 : memref<!tpu.dma_semaphore, #tpu.memory_space<semaphore_mem>>)
    }
    %scan3A_52 = arith.constant 40 : i32
    %mul3A_53 = arith.constant 40 : i32
    %mul3A_54 = arith.muli %add3A, %mul3A_53 : i32
    %add3A_55 = arith.constant 39 : i32
    %add3A_56 = arith.addi %mul3A_54, %add3A_55 : i32
    %mul3A_57 = arith.constant 128 : i32
    %mul3A_58 = arith.muli %add3A_56, %mul3A_57 : i32
    %rem3A = arith.constant 39 : i32
    %rem3A_59 = arith.constant 3 : i32
    %rem3A_60 = arith.remsi %rem3A, %rem3A_59 : i32
    %dma_wait3A = arith.constant 0 : i32
    %dma_wait3A_61 = arith.constant 0 : i32
    %dma_wait3A_62 = tpu.memref_slice %arg9[%rem3A_60, %dma_wait3A, %dma_wait3A_61] : memref<3x128x48xf32, #tpu.memory_space<vmem>> -> memref<1x128x48xf32, #tpu.memory_space<vmem>>
    %dma_wait3A_63 = tpu.memref_squeeze %dma_wait3A_62 : memref<1x128x48xf32, #tpu.memory_space<vmem>> -> memref<128x48xf32, #tpu.memory_space<vmem>>
    %dma_wait3A_64 = arith.constant 0 : i32
    %dma_wait3A_65 = tpu.memref_slice %arg6[%mul3A_58, %dma_wait3A_64] : memref<163840x64xf32, #tpu.memory_space<hbm>> -> memref<128x48xf32, #tpu.memory_space<hbm>>
    %dma_wait3A_66 = arith.constant 0 : i32
    %dma_wait3A_67 = tpu.memref_slice %arg6[%mul3A_58, %dma_wait3A_66] : memref<163840x64xf32, #tpu.memory_space<hbm>> -> memref<128x48xf32, #tpu.memory_space<hbm>>
    %dma_wait3A_68 = arith.constant 0 : i32
    %dma_wait3A_69 = arith.constant 0 : i32
    %dma_wait3A_70 = tpu.memref_slice %arg9[%rem3A_60, %dma_wait3A_68, %dma_wait3A_69] : memref<3x128x48xf32, #tpu.memory_space<vmem>> -> memref<1x128x48xf32, #tpu.memory_space<vmem>>
    %dma_wait3A_71 = tpu.memref_squeeze %dma_wait3A_70 : memref<1x128x48xf32, #tpu.memory_space<vmem>> -> memref<128x48xf32, #tpu.memory_space<vmem>>
    tpu.wait_dma2 semaphore(%arg13 : memref<!tpu.dma_semaphore, #tpu.memory_space<semaphore_mem>>) src(%dma_wait3A_71 : memref<128x48xf32, #tpu.memory_space<vmem>>) dst(%dma_wait3A_67 : memref<128x48xf32, #tpu.memory_space<hbm>>)
    %dma_wait3A_72 = arith.constant 0 : i32
    %dma_wait3A_73 = arith.constant 0 : i32
    %dma_wait3A_74 = tpu.memref_slice %arg10[%rem3A_60, %dma_wait3A_72, %dma_wait3A_73] : memref<3x128x16xf32, #tpu.memory_space<vmem>> -> memref<1x128x16xf32, #tpu.memory_space<vmem>>
    %dma_wait3A_75 = tpu.memref_squeeze %dma_wait3A_74 : memref<1x128x16xf32, #tpu.memory_space<vmem>> -> memref<128x16xf32, #tpu.memory_space<vmem>>
    %dma_wait3A_76 = arith.constant 48 : i32
    %dma_wait3A_77 = tpu.memref_slice %arg6[%mul3A_58, %dma_wait3A_76] : memref<163840x64xf32, #tpu.memory_space<hbm>> -> memref<128x16xf32, #tpu.memory_space<hbm>>
    %dma_wait3A_78 = arith.constant 48 : i32
    %dma_wait3A_79 = tpu.memref_slice %arg6[%mul3A_58, %dma_wait3A_78] : memref<163840x64xf32, #tpu.memory_space<hbm>> -> memref<128x16xf32, #tpu.memory_space<hbm>>
    %dma_wait3A_80 = arith.constant 0 : i32
    %dma_wait3A_81 = arith.constant 0 : i32
    %dma_wait3A_82 = tpu.memref_slice %arg10[%rem3A_60, %dma_wait3A_80, %dma_wait3A_81] : memref<3x128x16xf32, #tpu.memory_space<vmem>> -> memref<1x128x16xf32, #tpu.memory_space<vmem>>
    %dma_wait3A_83 = tpu.memref_squeeze %dma_wait3A_82 : memref<1x128x16xf32, #tpu.memory_space<vmem>> -> memref<128x16xf32, #tpu.memory_space<vmem>>
    tpu.wait_dma2 semaphore(%arg13 : memref<!tpu.dma_semaphore, #tpu.memory_space<semaphore_mem>>) src(%dma_wait3A_83 : memref<128x16xf32, #tpu.memory_space<vmem>>) dst(%dma_wait3A_79 : memref<128x16xf32, #tpu.memory_space<hbm>>)
    return
  }
}

module attributes {stable_mosaic.version = 14 : i64} {
  func.func @_tc_msg_body(%arg0: i32, %arg1: memref<1024x128xf32, #tpu.memory_space<vmem>>, %arg2: memref<16x64xf32, #tpu.memory_space<vmem>>, %arg3: memref<64x576xf32, #tpu.memory_space<vmem>>, %arg4: memref<24x384xf32, #tpu.memory_space<vmem>>, %arg5: memref<384x16xf32, #tpu.memory_space<vmem>>, %arg6: memref<16x128xf32, #tpu.memory_space<vmem>>, %arg7: memref<128x8xf32, #tpu.memory_space<vmem>>, %arg8: memref<8x64xf32, #tpu.memory_space<vmem>>, %arg9: memref<64x8xf32, #tpu.memory_space<vmem>>, %arg10: memref<3x24xf32, #tpu.memory_space<vmem>>, %arg11: memref<24x8xf32, #tpu.memory_space<vmem>>, %arg12: memref<8x24xf32, #tpu.memory_space<vmem>>, %arg13: memref<3x1xf32, #tpu.memory_space<vmem>>, %arg14: memref<1x16xf32, #tpu.memory_space<vmem>>, %arg15: memref<1024x128xf32, #tpu.memory_space<vmem>>) attributes {dimension_semantics = [#tpu.dimension_semantics<arbitrary>], iteration_bounds = array<i64: 80>, scalar_prefetch = 0 : i64, scratch_operands = 0 : i64, tpu.core_type = #tpu.core_type<tc>, window_params = [{transform_indices = @transform_0, window_bounds = array<i64: 1024, 128>}, {pipeline_mode = #tpu.pipeline_mode<synchronous>, transform_indices = @transform_1, window_bounds = array<i64: 16, 64>}, {pipeline_mode = #tpu.pipeline_mode<synchronous>, transform_indices = @transform_2, window_bounds = array<i64: 64, 576>}, {pipeline_mode = #tpu.pipeline_mode<synchronous>, transform_indices = @transform_3, window_bounds = array<i64: 24, 384>}, {pipeline_mode = #tpu.pipeline_mode<synchronous>, transform_indices = @transform_4, window_bounds = array<i64: 384, 16>}, {pipeline_mode = #tpu.pipeline_mode<synchronous>, transform_indices = @transform_5, window_bounds = array<i64: 16, 128>}, {pipeline_mode = #tpu.pipeline_mode<synchronous>, transform_indices = @transform_6, window_bounds = array<i64: 128, 8>}, {pipeline_mode = #tpu.pipeline_mode<synchronous>, transform_indices = @transform_7, window_bounds = array<i64: 8, 64>}, {pipeline_mode = #tpu.pipeline_mode<synchronous>, transform_indices = @transform_8, window_bounds = array<i64: 64, 8>}, {pipeline_mode = #tpu.pipeline_mode<synchronous>, transform_indices = @transform_9, window_bounds = array<i64: 3, 24>}, {pipeline_mode = #tpu.pipeline_mode<synchronous>, transform_indices = @transform_10, window_bounds = array<i64: 24, 8>}, {pipeline_mode = #tpu.pipeline_mode<synchronous>, transform_indices = @transform_11, window_bounds = array<i64: 8, 24>}, {pipeline_mode = #tpu.pipeline_mode<synchronous>, transform_indices = @transform_12, window_bounds = array<i64: 3, 1>}, {pipeline_mode = #tpu.pipeline_mode<synchronous>, transform_indices = @transform_13, window_bounds = array<i64: 1, 16>}, {transform_indices = @transform_14, window_bounds = array<i64: 1024, 128>}]} {
    %get3A = arith.constant 0 : index
    %get3A_0 = arith.constant 0 : index
    %get3A_1 = vector.load %arg1[%get3A, %get3A_0] : memref<1024x128xf32, #tpu.memory_space<vmem>>, vector<1024x128xf32>
    %slice3A = vector.extract_strided_slice %get3A_1 {offsets = [0, 0], sizes = [1024, 64], strides = [1, 1]} : vector<1024x128xf32> to vector<1024x64xf32>
    %slice3A_2 = vector.extract_strided_slice %get3A_1 {offsets = [0, 64], sizes = [1024, 64], strides = [1, 1]} : vector<1024x128xf32> to vector<1024x64xf32>
    %concatenate3A = tpu.concatenate %slice3A, %slice3A_2 in 0 : vector<1024x64xf32>, vector<1024x64xf32> -> vector<2048x64xf32>
    %slice3A_3 = vector.extract_strided_slice %concatenate3A {offsets = [0, 0], sizes = [2048, 16], strides = [1, 1]} : vector<2048x64xf32> to vector<2048x16xf32>
    %slice3A_4 = vector.extract_strided_slice %concatenate3A {offsets = [0, 16], sizes = [2048, 24], strides = [1, 1]} : vector<2048x64xf32> to vector<2048x24xf32>
    %slice3A_5 = vector.extract_strided_slice %concatenate3A {offsets = [0, 40], sizes = [2048, 3], strides = [1, 1]} : vector<2048x64xf32> to vector<2048x3xf32>
    %slice3A_6 = vector.extract_strided_slice %concatenate3A {offsets = [0, 48], sizes = [2048, 3], strides = [1, 1]} : vector<2048x64xf32> to vector<2048x3xf32>
    %sub3A = arith.subf %slice3A_5, %slice3A_6 : vector<2048x3xf32>
    %mul3A = arith.mulf %sub3A, %sub3A : vector<2048x3xf32>
    %get3A_7 = arith.constant 0 : index
    %get3A_8 = arith.constant 0 : index
    %get3A_9 = vector.load %arg13[%get3A_7, %get3A_8] : memref<3x1xf32, #tpu.memory_space<vmem>>, vector<3x1xf32>
    %dot_general3A = arith.constant dense<0.000000e+00> : vector<2048x1xf32>
    %dot_general3A_10 = tpu.matmul %mul3A, %get3A_9, %dot_general3A {dimension_numbers = #tpu.dot_dimension_numbers<[1], [0], [0], [1], [0, 0, 1, 1], [], []>, transpose_lhs_hint = false} : vector<2048x3xf32>, vector<3x1xf32>, vector<2048x1xf32> -> vector<2048x1xf32>
    %sqrt3A = math.sqrt %dot_general3A_10 : vector<2048x1xf32>
    %get3A_11 = arith.constant 0 : index
    %get3A_12 = arith.constant 0 : index
    %get3A_13 = vector.load %arg14[%get3A_11, %get3A_12] : memref<1x16xf32, #tpu.memory_space<vmem>>, vector<1x16xf32>
    %dot_general3A_14 = arith.constant dense<0.000000e+00> : vector<2048x16xf32>
    %dot_general3A_15 = tpu.matmul %sqrt3A, %get3A_13, %dot_general3A_14 {dimension_numbers = #tpu.dot_dimension_numbers<[1], [0], [0], [1], [0, 0, 1, 1], [], []>, transpose_lhs_hint = false} : vector<2048x1xf32>, vector<1x16xf32>, vector<2048x16xf32> -> vector<2048x16xf32>
    %iota3A = tpu.iota {dimensions = array<i32: 1>} : vector<1x16xi32>
    %convert_element_type3A = arith.sitofp %iota3A : vector<1x16xi32> to vector<1x16xf32>
    %mul3A_16 = arith.constant 0.266666681 : f32
    %mul3A_17 = vector.broadcast %mul3A_16 : f32 to vector<1x16xf32>
    %mul3A_18 = arith.mulf %convert_element_type3A, %mul3A_17 : vector<1x16xf32>
    %sub3A_19 = vector.broadcast %mul3A_18 : vector<1x16xf32> to vector<2048x16xf32>
    %sub3A_20 = arith.subf %dot_general3A_15, %sub3A_19 : vector<2048x16xf32>
    %integer_pow3A = arith.mulf %sub3A_20, %sub3A_20 : vector<2048x16xf32>
    %mul3A_21 = arith.constant -8.000000e+00 : f32
    %mul3A_22 = vector.broadcast %mul3A_21 : f32 to vector<2048x16xf32>
    %mul3A_23 = arith.mulf %mul3A_22, %integer_pow3A : vector<2048x16xf32>
    %exp3A = math.exp %mul3A_23 : vector<2048x16xf32>
    %get3A_24 = arith.constant 0 : index
    %get3A_25 = arith.constant 0 : index
    %get3A_26 = vector.load %arg2[%get3A_24, %get3A_25] : memref<16x64xf32, #tpu.memory_space<vmem>>, vector<16x64xf32>
    %dot_general3A_27 = arith.constant dense<0.000000e+00> : vector<2048x64xf32>
    %dot_general3A_28 = tpu.matmul %exp3A, %get3A_26, %dot_general3A_27 {dimension_numbers = #tpu.dot_dimension_numbers<[1], [0], [0], [1], [0, 0, 1, 1], [], []>, transpose_lhs_hint = false} : vector<2048x16xf32>, vector<16x64xf32>, vector<2048x64xf32> -> vector<2048x64xf32>
    %max3A = arith.constant 0.000000e+00 : f32
    %max3A_29 = vector.broadcast %max3A : f32 to vector<2048x64xf32>
    %max3A_30 = arith.maximumf %dot_general3A_28, %max3A_29 : vector<2048x64xf32>
    %get3A_31 = arith.constant 0 : index
    %get3A_32 = arith.constant 0 : index
    %get3A_33 = vector.load %arg3[%get3A_31, %get3A_32] : memref<64x576xf32, #tpu.memory_space<vmem>>, vector<64x576xf32>
    %dot_general3A_34 = arith.constant dense<0.000000e+00> : vector<2048x576xf32>
    %dot_general3A_35 = tpu.matmul %max3A_30, %get3A_33, %dot_general3A_34 {dimension_numbers = #tpu.dot_dimension_numbers<[1], [0], [0], [1], [0, 0, 1, 1], [], []>, transpose_lhs_hint = false} : vector<2048x64xf32>, vector<64x576xf32>, vector<2048x576xf32> -> vector<2048x576xf32>
    %max3A_36 = arith.constant 9.99999996E-13 : f32
    %max3A_37 = vector.broadcast %max3A_36 : f32 to vector<2048x1xf32>
    %max3A_38 = arith.maximumf %sqrt3A, %max3A_37 : vector<2048x1xf32>
    %sqrt3A_39 = arith.constant 3.000000e+00 : f32
    %sqrt3A_40 = math.sqrt %sqrt3A_39 : f32
    %div3A = vector.broadcast %sqrt3A_40 : f32 to vector<2048x1xf32>
    %div3A_41 = arith.divf %div3A, %max3A_38 : vector<2048x1xf32>
    %mul3A_42 = vector.broadcast %div3A_41 : vector<2048x1xf32> to vector<2048x3xf32>
    %mul3A_43 = arith.mulf %sub3A, %mul3A_42 : vector<2048x3xf32>
    %slice3A_44 = vector.extract_strided_slice %slice3A_4 {offsets = [0, 0], sizes = [2048, 8], strides = [1, 1]} : vector<2048x24xf32> to vector<2048x8xf32>
    %slice3A_45 = vector.extract_strided_slice %mul3A_43 {offsets = [0, 0], sizes = [2048, 1], strides = [1, 1]} : vector<2048x3xf32> to vector<2048x1xf32>
    %mul3A_46 = vector.broadcast %slice3A_45 : vector<2048x1xf32> to vector<2048x8xf32>
    %mul3A_47 = arith.mulf %slice3A_44, %mul3A_46 : vector<2048x8xf32>
    %slice3A_48 = vector.extract_strided_slice %slice3A_4 {offsets = [0, 8], sizes = [2048, 8], strides = [1, 1]} : vector<2048x24xf32> to vector<2048x8xf32>
    %slice3A_49 = vector.extract_strided_slice %mul3A_43 {offsets = [0, 1], sizes = [2048, 1], strides = [1, 1]} : vector<2048x3xf32> to vector<2048x1xf32>
    %mul3A_50 = vector.broadcast %slice3A_49 : vector<2048x1xf32> to vector<2048x8xf32>
    %mul3A_51 = arith.mulf %slice3A_48, %mul3A_50 : vector<2048x8xf32>
    %add3A = arith.addf %mul3A_47, %mul3A_51 : vector<2048x8xf32>
    %slice3A_52 = vector.extract_strided_slice %slice3A_4 {offsets = [0, 16], sizes = [2048, 8], strides = [1, 1]} : vector<2048x24xf32> to vector<2048x8xf32>
    %slice3A_53 = vector.extract_strided_slice %mul3A_43 {offsets = [0, 2], sizes = [2048, 1], strides = [1, 1]} : vector<2048x3xf32> to vector<2048x1xf32>
    %mul3A_54 = vector.broadcast %slice3A_53 : vector<2048x1xf32> to vector<2048x8xf32>
    %mul3A_55 = arith.mulf %slice3A_52, %mul3A_54 : vector<2048x8xf32>
    %add3A_56 = arith.addf %add3A, %mul3A_55 : vector<2048x8xf32>
    %concatenate3A_57 = tpu.concatenate %slice3A_3, %add3A_56 in 1 : vector<2048x16xf32>, vector<2048x8xf32> -> vector<2048x24xf32>
    %slice3A_58 = vector.extract_strided_slice %dot_general3A_35 {offsets = [0, 0], sizes = [2048, 384], strides = [1, 1]} : vector<2048x576xf32> to vector<2048x384xf32>
    %get3A_59 = arith.constant 0 : index
    %get3A_60 = arith.constant 0 : index
    %get3A_61 = vector.load %arg4[%get3A_59, %get3A_60] : memref<24x384xf32, #tpu.memory_space<vmem>>, vector<24x384xf32>
    %dot_general3A_62 = arith.constant dense<0.000000e+00> : vector<2048x384xf32>
    %dot_general3A_63 = tpu.matmul %concatenate3A_57, %get3A_61, %dot_general3A_62 {dimension_numbers = #tpu.dot_dimension_numbers<[1], [0], [0], [1], [0, 0, 1, 1], [], []>, transpose_lhs_hint = false} : vector<2048x24xf32>, vector<24x384xf32>, vector<2048x384xf32> -> vector<2048x384xf32>
    %mul3A_64 = arith.mulf %slice3A_58, %dot_general3A_63 : vector<2048x384xf32>
    %get3A_65 = arith.constant 0 : index
    %get3A_66 = arith.constant 0 : index
    %get3A_67 = vector.load %arg5[%get3A_65, %get3A_66] : memref<384x16xf32, #tpu.memory_space<vmem>>, vector<384x16xf32>
    %dot_general3A_68 = arith.constant dense<0.000000e+00> : vector<2048x16xf32>
    %dot_general3A_69 = tpu.matmul %mul3A_64, %get3A_67, %dot_general3A_68 {dimension_numbers = #tpu.dot_dimension_numbers<[1], [0], [0], [1], [0, 0, 1, 1], [], []>, transpose_lhs_hint = false} : vector<2048x384xf32>, vector<384x16xf32>, vector<2048x16xf32> -> vector<2048x16xf32>
    %slice3A_70 = vector.extract_strided_slice %dot_general3A_35 {offsets = [0, 384], sizes = [2048, 128], strides = [1, 1]} : vector<2048x576xf32> to vector<2048x128xf32>
    %get3A_71 = arith.constant 0 : index
    %get3A_72 = arith.constant 0 : index
    %get3A_73 = vector.load %arg6[%get3A_71, %get3A_72] : memref<16x128xf32, #tpu.memory_space<vmem>>, vector<16x128xf32>
    %dot_general3A_74 = arith.constant dense<0.000000e+00> : vector<2048x128xf32>
    %dot_general3A_75 = tpu.matmul %slice3A_3, %get3A_73, %dot_general3A_74 {dimension_numbers = #tpu.dot_dimension_numbers<[1], [0], [0], [1], [0, 0, 1, 1], [], []>, transpose_lhs_hint = false} : vector<2048x16xf32>, vector<16x128xf32>, vector<2048x128xf32> -> vector<2048x128xf32>
    %mul3A_76 = arith.mulf %slice3A_70, %dot_general3A_75 : vector<2048x128xf32>
    %get3A_77 = arith.constant 0 : index
    %get3A_78 = arith.constant 0 : index
    %get3A_79 = vector.load %arg7[%get3A_77, %get3A_78] : memref<128x8xf32, #tpu.memory_space<vmem>>, vector<128x8xf32>
    %dot_general3A_80 = arith.constant dense<0.000000e+00> : vector<2048x8xf32>
    %dot_general3A_81 = tpu.matmul %mul3A_76, %get3A_79, %dot_general3A_80 {dimension_numbers = #tpu.dot_dimension_numbers<[1], [0], [0], [1], [0, 0, 1, 1], [], []>, transpose_lhs_hint = false} : vector<2048x128xf32>, vector<128x8xf32>, vector<2048x8xf32> -> vector<2048x8xf32>
    %slice3A_82 = vector.extract_strided_slice %dot_general3A_35 {offsets = [0, 512], sizes = [2048, 64], strides = [1, 1]} : vector<2048x576xf32> to vector<2048x64xf32>
    %slice3A_83 = vector.extract_strided_slice %concatenate3A {offsets = [0, 16], sizes = [2048, 8], strides = [1, 1]} : vector<2048x64xf32> to vector<2048x8xf32>
    %get3A_84 = arith.constant 0 : index
    %get3A_85 = arith.constant 0 : index
    %get3A_86 = vector.load %arg8[%get3A_84, %get3A_85] : memref<8x64xf32, #tpu.memory_space<vmem>>, vector<8x64xf32>
    %dot_general3A_87 = arith.constant dense<0.000000e+00> : vector<2048x64xf32>
    %dot_general3A_88 = tpu.matmul %slice3A_83, %get3A_86, %dot_general3A_87 {dimension_numbers = #tpu.dot_dimension_numbers<[1], [0], [0], [1], [0, 0, 1, 1], [], []>, transpose_lhs_hint = false} : vector<2048x8xf32>, vector<8x64xf32>, vector<2048x64xf32> -> vector<2048x64xf32>
    %mul3A_89 = arith.mulf %slice3A_82, %dot_general3A_88 : vector<2048x64xf32>
    %get3A_90 = arith.constant 0 : index
    %get3A_91 = arith.constant 0 : index
    %get3A_92 = vector.load %arg9[%get3A_90, %get3A_91] : memref<64x8xf32, #tpu.memory_space<vmem>>, vector<64x8xf32>
    %dot_general3A_93 = arith.constant dense<0.000000e+00> : vector<2048x8xf32>
    %dot_general3A_94 = tpu.matmul %mul3A_89, %get3A_92, %dot_general3A_93 {dimension_numbers = #tpu.dot_dimension_numbers<[1], [0], [0], [1], [0, 0, 1, 1], [], []>, transpose_lhs_hint = false} : vector<2048x64xf32>, vector<64x8xf32>, vector<2048x8xf32> -> vector<2048x8xf32>
    %slice3A_95 = vector.extract_strided_slice %mul3A_43 {offsets = [0, 0], sizes = [2048, 1], strides = [1, 1]} : vector<2048x3xf32> to vector<2048x1xf32>
    %mul3A_96 = vector.broadcast %slice3A_95 : vector<2048x1xf32> to vector<2048x8xf32>
    %mul3A_97 = arith.mulf %dot_general3A_81, %mul3A_96 : vector<2048x8xf32>
    %add3A_98 = arith.addf %mul3A_97, %dot_general3A_94 : vector<2048x8xf32>
    %slice3A_99 = vector.extract_strided_slice %concatenate3A {offsets = [0, 24], sizes = [2048, 8], strides = [1, 1]} : vector<2048x64xf32> to vector<2048x8xf32>
    %get3A_100 = arith.constant 0 : index
    %get3A_101 = arith.constant 0 : index
    %get3A_102 = vector.load %arg8[%get3A_100, %get3A_101] : memref<8x64xf32, #tpu.memory_space<vmem>>, vector<8x64xf32>
    %dot_general3A_103 = arith.constant dense<0.000000e+00> : vector<2048x64xf32>
    %dot_general3A_104 = tpu.matmul %slice3A_99, %get3A_102, %dot_general3A_103 {dimension_numbers = #tpu.dot_dimension_numbers<[1], [0], [0], [1], [0, 0, 1, 1], [], []>, transpose_lhs_hint = false} : vector<2048x8xf32>, vector<8x64xf32>, vector<2048x64xf32> -> vector<2048x64xf32>
    %mul3A_105 = arith.mulf %slice3A_82, %dot_general3A_104 : vector<2048x64xf32>
    %get3A_106 = arith.constant 0 : index
    %get3A_107 = arith.constant 0 : index
    %get3A_108 = vector.load %arg9[%get3A_106, %get3A_107] : memref<64x8xf32, #tpu.memory_space<vmem>>, vector<64x8xf32>
    %dot_general3A_109 = arith.constant dense<0.000000e+00> : vector<2048x8xf32>
    %dot_general3A_110 = tpu.matmul %mul3A_105, %get3A_108, %dot_general3A_109 {dimension_numbers = #tpu.dot_dimension_numbers<[1], [0], [0], [1], [0, 0, 1, 1], [], []>, transpose_lhs_hint = false} : vector<2048x64xf32>, vector<64x8xf32>, vector<2048x8xf32> -> vector<2048x8xf32>
    %slice3A_111 = vector.extract_strided_slice %mul3A_43 {offsets = [0, 1], sizes = [2048, 1], strides = [1, 1]} : vector<2048x3xf32> to vector<2048x1xf32>
    %mul3A_112 = vector.broadcast %slice3A_111 : vector<2048x1xf32> to vector<2048x8xf32>
    %mul3A_113 = arith.mulf %dot_general3A_81, %mul3A_112 : vector<2048x8xf32>
    %add3A_114 = arith.addf %mul3A_113, %dot_general3A_110 : vector<2048x8xf32>
    %slice3A_115 = vector.extract_strided_slice %concatenate3A {offsets = [0, 32], sizes = [2048, 8], strides = [1, 1]} : vector<2048x64xf32> to vector<2048x8xf32>
    %get3A_116 = arith.constant 0 : index
    %get3A_117 = arith.constant 0 : index
    %get3A_118 = vector.load %arg8[%get3A_116, %get3A_117] : memref<8x64xf32, #tpu.memory_space<vmem>>, vector<8x64xf32>
    %dot_general3A_119 = arith.constant dense<0.000000e+00> : vector<2048x64xf32>
    %dot_general3A_120 = tpu.matmul %slice3A_115, %get3A_118, %dot_general3A_119 {dimension_numbers = #tpu.dot_dimension_numbers<[1], [0], [0], [1], [0, 0, 1, 1], [], []>, transpose_lhs_hint = false} : vector<2048x8xf32>, vector<8x64xf32>, vector<2048x64xf32> -> vector<2048x64xf32>
    %mul3A_121 = arith.mulf %slice3A_82, %dot_general3A_120 : vector<2048x64xf32>
    %get3A_122 = arith.constant 0 : index
    %get3A_123 = arith.constant 0 : index
    %get3A_124 = vector.load %arg9[%get3A_122, %get3A_123] : memref<64x8xf32, #tpu.memory_space<vmem>>, vector<64x8xf32>
    %dot_general3A_125 = arith.constant dense<0.000000e+00> : vector<2048x8xf32>
    %dot_general3A_126 = tpu.matmul %mul3A_121, %get3A_124, %dot_general3A_125 {dimension_numbers = #tpu.dot_dimension_numbers<[1], [0], [0], [1], [0, 0, 1, 1], [], []>, transpose_lhs_hint = false} : vector<2048x64xf32>, vector<64x8xf32>, vector<2048x8xf32> -> vector<2048x8xf32>
    %slice3A_127 = vector.extract_strided_slice %mul3A_43 {offsets = [0, 2], sizes = [2048, 1], strides = [1, 1]} : vector<2048x3xf32> to vector<2048x1xf32>
    %mul3A_128 = vector.broadcast %slice3A_127 : vector<2048x1xf32> to vector<2048x8xf32>
    %mul3A_129 = arith.mulf %dot_general3A_81, %mul3A_128 : vector<2048x8xf32>
    %add3A_130 = arith.addf %mul3A_129, %dot_general3A_126 : vector<2048x8xf32>
    %concatenate3A_131 = tpu.concatenate %dot_general3A_69, %add3A_98, %add3A_114, %add3A_130 in 1 : vector<2048x16xf32>, vector<2048x8xf32>, vector<2048x8xf32>, vector<2048x8xf32> -> vector<2048x40xf32>
    %broadcast_in_dim3A = arith.constant 0.000000e+00 : f32
    %broadcast_in_dim3A_132 = vector.broadcast %broadcast_in_dim3A : f32 to vector<1024x24xf32>
    %slice3A_133 = vector.extract_strided_slice %concatenate3A_131 {offsets = [0, 0], sizes = [1024, 40], strides = [1, 1]} : vector<2048x40xf32> to vector<1024x40xf32>
    %slice3A_134 = vector.extract_strided_slice %concatenate3A_131 {offsets = [1024, 0], sizes = [1024, 40], strides = [1, 1]} : vector<2048x40xf32> to vector<1024x40xf32>
    %concatenate3A_135 = tpu.concatenate %slice3A_133, %broadcast_in_dim3A_132, %slice3A_134, %broadcast_in_dim3A_132 in 1 : vector<1024x40xf32>, vector<1024x24xf32>, vector<1024x40xf32>, vector<1024x24xf32> -> vector<1024x128xf32>
    %swap3A = arith.constant 0 : index
    %swap3A_136 = arith.constant 0 : index
    %swap3A_137 = vector.load %arg15[%swap3A, %swap3A_136] : memref<1024x128xf32, #tpu.memory_space<vmem>>, vector<1024x128xf32>
    tpu.vector_store %arg15[%swap3A, %swap3A_136], %concatenate3A_135 {strides = array<i32>} : memref<1024x128xf32, #tpu.memory_space<vmem>>, vector<1024x128xf32>,
    return
  }
  func.func @transform_0(%arg0: i32) -> (i32, i32) {
    %c0_i32 = arith.constant 0 : i32
    %c0_i32_0 = arith.constant 0 : i32
    return %arg0, %c0_i32 : i32, i32
  }
  func.func @transform_1(%arg0: i32) -> (i32, i32) {
    %c0_i32 = arith.constant 0 : i32
    %c0_i32_0 = arith.constant 0 : i32
    %c0_i32_1 = arith.constant 0 : i32
    return %c0_i32, %c0_i32_0 : i32, i32
  }
  func.func @transform_2(%arg0: i32) -> (i32, i32) {
    %c0_i32 = arith.constant 0 : i32
    %c0_i32_0 = arith.constant 0 : i32
    %c0_i32_1 = arith.constant 0 : i32
    return %c0_i32, %c0_i32_0 : i32, i32
  }
  func.func @transform_3(%arg0: i32) -> (i32, i32) {
    %c0_i32 = arith.constant 0 : i32
    %c0_i32_0 = arith.constant 0 : i32
    %c0_i32_1 = arith.constant 0 : i32
    return %c0_i32, %c0_i32_0 : i32, i32
  }
  func.func @transform_4(%arg0: i32) -> (i32, i32) {
    %c0_i32 = arith.constant 0 : i32
    %c0_i32_0 = arith.constant 0 : i32
    %c0_i32_1 = arith.constant 0 : i32
    return %c0_i32, %c0_i32_0 : i32, i32
  }
  func.func @transform_5(%arg0: i32) -> (i32, i32) {
    %c0_i32 = arith.constant 0 : i32
    %c0_i32_0 = arith.constant 0 : i32
    %c0_i32_1 = arith.constant 0 : i32
    return %c0_i32, %c0_i32_0 : i32, i32
  }
  func.func @transform_6(%arg0: i32) -> (i32, i32) {
    %c0_i32 = arith.constant 0 : i32
    %c0_i32_0 = arith.constant 0 : i32
    %c0_i32_1 = arith.constant 0 : i32
    return %c0_i32, %c0_i32_0 : i32, i32
  }
  func.func @transform_7(%arg0: i32) -> (i32, i32) {
    %c0_i32 = arith.constant 0 : i32
    %c0_i32_0 = arith.constant 0 : i32
    %c0_i32_1 = arith.constant 0 : i32
    return %c0_i32, %c0_i32_0 : i32, i32
  }
  func.func @transform_8(%arg0: i32) -> (i32, i32) {
    %c0_i32 = arith.constant 0 : i32
    %c0_i32_0 = arith.constant 0 : i32
    %c0_i32_1 = arith.constant 0 : i32
    return %c0_i32, %c0_i32_0 : i32, i32
  }
  func.func @transform_9(%arg0: i32) -> (i32, i32) {
    %c0_i32 = arith.constant 0 : i32
    %c0_i32_0 = arith.constant 0 : i32
    %c0_i32_1 = arith.constant 0 : i32
    return %c0_i32, %c0_i32_0 : i32, i32
  }
  func.func @transform_10(%arg0: i32) -> (i32, i32) {
    %c0_i32 = arith.constant 0 : i32
    %c0_i32_0 = arith.constant 0 : i32
    %c0_i32_1 = arith.constant 0 : i32
    return %c0_i32, %c0_i32_0 : i32, i32
  }
  func.func @transform_11(%arg0: i32) -> (i32, i32) {
    %c0_i32 = arith.constant 0 : i32
    %c0_i32_0 = arith.constant 0 : i32
    %c0_i32_1 = arith.constant 0 : i32
    return %c0_i32, %c0_i32_0 : i32, i32
  }
  func.func @transform_12(%arg0: i32) -> (i32, i32) {
    %c0_i32 = arith.constant 0 : i32
    %c0_i32_0 = arith.constant 0 : i32
    %c0_i32_1 = arith.constant 0 : i32
    return %c0_i32, %c0_i32_0 : i32, i32
  }
  func.func @transform_13(%arg0: i32) -> (i32, i32) {
    %c0_i32 = arith.constant 0 : i32
    %c0_i32_0 = arith.constant 0 : i32
    %c0_i32_1 = arith.constant 0 : i32
    return %c0_i32, %c0_i32_0 : i32, i32
  }
  func.func @transform_14(%arg0: i32) -> (i32, i32) {
    %c0_i32 = arith.constant 0 : i32
    %c0_i32_0 = arith.constant 0 : i32
    return %arg0, %c0_i32 : i32, i32
  }
}

module attributes {stable_mosaic.version = 14 : i64} {
  func.func @_tc_fin_body(%arg0: memref<2x10240x64xf32, #tpu.memory_space<vmem>>, %arg1: memref<24x24xf32, #tpu.memory_space<vmem>>, %arg2: memref<10240x40xf32, #tpu.memory_space<vmem>>) attributes {dimension_semantics = [], scalar_prefetch = 0 : i64, scratch_operands = 0 : i64, tpu.core_type = #tpu.core_type<tc>} {
    %get3A = arith.constant 0 : index
    %get3A_0 = arith.constant 0 : index
    %get3A_1 = arith.constant 0 : index
    %get3A_2 = vector.load %arg0[%get3A, %get3A_0, %get3A_1] : memref<2x10240x64xf32, #tpu.memory_space<vmem>>, vector<1x10240x64xf32>
    %get3A_3 = vector.shape_cast %get3A_2 : vector<1x10240x64xf32> to vector<10240x64xf32>
    %get3A_4 = arith.constant 1 : index
    %get3A_5 = arith.constant 0 : index
    %get3A_6 = arith.constant 0 : index
    %get3A_7 = vector.load %arg0[%get3A_4, %get3A_5, %get3A_6] : memref<2x10240x64xf32, #tpu.memory_space<vmem>>, vector<1x10240x64xf32>
    %get3A_8 = vector.shape_cast %get3A_7 : vector<1x10240x64xf32> to vector<10240x64xf32>
    %add3A = arith.addf %get3A_3, %get3A_8 : vector<10240x64xf32>
    %slice3A = vector.extract_strided_slice %add3A {offsets = [0, 0], sizes = [10240, 16], strides = [1, 1]} : vector<10240x64xf32> to vector<10240x16xf32>
    %neg3A = arith.constant 0.000000e+00 : f32
    %neg3A_9 = vector.broadcast %neg3A : f32 to vector<10240x16xf32>
    %neg3A_10 = arith.subf %neg3A_9, %slice3A : vector<10240x16xf32>
    %exp3A = math.exp %neg3A_10 : vector<10240x16xf32>
    %add3A_11 = arith.constant 1.000000e+00 : f32
    %add3A_12 = vector.broadcast %add3A_11 : f32 to vector<10240x16xf32>
    %add3A_13 = arith.addf %add3A_12, %exp3A : vector<10240x16xf32>
    %div3A = arith.divf %slice3A, %add3A_13 : vector<10240x16xf32>
    %slice3A_14 = vector.extract_strided_slice %add3A {offsets = [0, 16], sizes = [10240, 24], strides = [1, 1]} : vector<10240x64xf32> to vector<10240x24xf32>
    %get3A_15 = arith.constant 0 : index
    %get3A_16 = arith.constant 0 : index
    %get3A_17 = vector.load %arg1[%get3A_15, %get3A_16] : memref<24x24xf32, #tpu.memory_space<vmem>>, vector<24x24xf32>
    %dot_general3A = arith.constant dense<0.000000e+00> : vector<10240x24xf32>
    %dot_general3A_18 = tpu.matmul %slice3A_14, %get3A_17, %dot_general3A {dimension_numbers = #tpu.dot_dimension_numbers<[1], [0], [0], [1], [0, 0, 1, 1], [], []>, transpose_lhs_hint = false} : vector<10240x24xf32>, vector<24x24xf32>, vector<10240x24xf32> -> vector<10240x24xf32>
    %concatenate3A = tpu.concatenate %div3A, %dot_general3A_18 in 1 : vector<10240x16xf32>, vector<10240x24xf32> -> vector<10240x40xf32>
    %swap3A = arith.constant 0 : index
    %swap3A_19 = arith.constant 0 : index
    %swap3A_20 = vector.load %arg2[%swap3A, %swap3A_19] : memref<10240x40xf32, #tpu.memory_space<vmem>>, vector<10240x40xf32>
    tpu.vector_store %arg2[%swap3A, %swap3A_19], %concatenate3A {strides = array<i32>} : memref<10240x40xf32, #tpu.memory_space<vmem>>, vector<10240x40xf32>,
    return
  }
}

</mosaic_0001>

<sc_bundles>
// kernel: kernel.6.cloned.1.call-start
scs
__scs_entry_jumppad:
0x0: {  	(pc) =	sbr.rel $0x88, $3  }
0x1: {  	(tag) =	ssettag $0x0;
	lr =	simm.s32 $0x1  }
0x2: {  	[smem:$0x3F9C] =	sst lr;
	_ =	strace $0xD0000000  }
0x3: {  	_ = 	snop  }
0x4: {  	_ = 	snop  }
0x5: {  	_ = 	snop  }
0x6: {  	_ = 	snop  }
0x7: {  	_ = 	snop  }
__scs_overlays_trampoline_lowered:
0x8: {  	[smem:$0x3FAB] =	sst s0  }
0x9: {  	[smem:$0x3FAC] =	sst s1  }
0xa: {  	[smem:$0x3FAD] =	sst s2  }
0xb: {  	[smem:$0x3FAE] =	sst s3  }
0xc: {  	[smem:$0x3FAF] =	sst s4  }
0xd: {  	[smem:$0x3FB0] =	sst s5  }
0xe: {  	[smem:$0x3FB1] =	sst s6  }
0xf: {  	[smem:$0x3FB2] =	sst s7  }
0x10: {  	[smem:$0x3FB3] =	sst s8  }
0x11: {  	[smem:$0x3FB4] =	sst s9;
	s0 =	simm.s32 @!p0 $0x0  }
0x12: {  	s1 =	sld [smem:$0x3F9A];
	s0 =	simm.s32 @p0 $0x1  }
0x13: {  	[smem:$0x3FB5] =	sst s0;
	s0 =	simm.s32 @!p1 $0x0  }
0x14: {  	s2 =	sld [smem:$0x3F99];
	s0 =	simm.s32 @p1 $0x1  }
0x15: {  	[smem:$0x3FB6] =	sst s0;
	s0 =	simm.s32 @!p2 $0x0  }
0x16: {  	s3 =	sld [smem:$0x3FDB];
	s0 =	simm.s32 @p2 $0x1  }
0x17: {  	s4 =	simm.s32 $0x1BF5;
	[smem:$0x3FB8] =	sst s0  }
0x18: {  	s0 =	sld [smem:$0x3F9B];
	_ =	swait.ge [sflag:s4], $0x0  }
0x19: {  	s7 =	sld [smem:$0x3F9C]  }
0x1a: {  	s8 =	sadd.s32 $0xFFFFE003, lr  }
0x1b: {  	s9 =	sadd.s32 $0xFFFFFEF7, lr;
	s5 =	simm.s32 $0xFFFFFFFF;
	p2 =	slt.u32 s8, $0xFFFFF086  }
0x1c: {  	p1 =	slt.u32 s9, $0xF7A;
	s5 =	simm.s32 @!p2 $0x0  }
0x1d: {  	s5 =	simm.s32 @p1 $0x1;
	p0 =	seq.s32 s7, s2  }
0x1e: {  	s7 =	smul.u32 @!p0 $0xF7A, s2;
	p2 =	seq.s32 @!p0 s5, $0x0  }
0x1f: {  	s9 =	smul.u32 $0xF7A, s1;
	s8 =	simm.s32 @!p0 $0x1BF5;
	p2 =	por !p2, p0  }
0x20: {  	[sflag:s8] =	ssyncset.s32 @!p0 $0xFFFFF086;
	s6 =	sadd.s32 @!p0 s3, s7;
	s7 =	simm.s32 @!p0 $0x108  }
0x21: {  	s3 =	sadd.s32 s3, s9;
	s6 =	sadd.s32 @!p0 $0x88, s6;
	s7 =	simm.s32 @p2 $0x1082  }
0x22: {  	[simem:s7], [sflag:s8] =	dma.local @!p0 [hbm:s6], $0xF7A  }
0x23: {  	s9 =	sor.u32 $0xD0000000, s2;
	s6 =	simm.s32 $0x108;
	_ =	swait.ge @!p0 [sflag:s8], $0x0  }
0x24: {  	s3 =	sadd.s32 $0x88, s3;
	s6 =	simm.s32 @!p1 $0x1082;
	[sflag:s4] =	ssyncset.s32 $0xFFFFF086  }
0x25: {  	[simem:s6], [sflag:s4] =	dma.local [hbm:s3], $0xF7A  }
0x26: {  	[smem:$0x3F9C] =	sst s1;
	(tag) =	ssettag s2;
	_ =	strace s9  }
0x27: {  	s1 =	sld [smem:$0x3FAC]  }
0x28: {  	s2 =	sld [smem:$0x3FAD]  }
0x29: {  	s4 =	sld [smem:$0x3FAF]  }
0x2a: {  	p0 =	seq.s32 s5, $0x0;
	s5 =	sld [smem:$0x3FB0]  }
0x2b: {  	s6 =	sld [smem:$0x3FB1]  }
0x2c: {  	s7 =	sld [smem:$0x3FB2]  }
0x2d: {  	s3 =	simm.s32 $0x108;
	s8 =	sld [smem:$0x3FB3]  }
0x2e: {  	s3 =	simm.s32 @!p0 $0x1082;
	s9 =	sld [smem:$0x3FB4]  }
0x2f: {  	lr =	sadd.s32 s0, s3;
	s0 =	sld [smem:$0x3FAB]  }
0x30: {  	s3 =	sld [smem:$0x3FAE]  }
0x31: {  	[smem:$0x3FB7] =	sst s10  }
0x32: {  	s10 =	sld [smem:$0x3FB5];
	_ =	sdelay $0x3  }
0x33: {  	p0 =	seq.s32 s10, $0x1;
	s10 =	sld [smem:$0x3FB7];
	_ =	sdelay $0x3  }
0x34: {  	[smem:$0x3FB7] =	sst s10  }
0x35: {  	s10 =	sld [smem:$0x3FB6];
	_ =	sdelay $0x3  }
0x36: {  	p1 =	seq.s32 s10, $0x1;
	s10 =	sld [smem:$0x3FB7];
	_ =	sdelay $0x3  }
0x37: {  	[smem:$0x3FB7] =	sst s10  }
0x38: {  	s10 =	sld [smem:$0x3FB8]  }
0x39: {  	_ = 	snop;
	(pc) =	sbr.ind lr, $3  }
0x3a: {  	_ = 	snop  }
0x3b: {  	_ = 	snop  }
0x3c: {  	p2 =	seq.s32 s10, $0x1;
	s10 =	sld [smem:$0x3FB7]  }
0x3d: {  	_ =	shalt  }
0x3e: {  	_ =	shalt  }
0x3f: {  	_ =	shalt  }
0x40: {  	_ =	shalt  }
0x41: {  	_ =	shalt  }
0x42: {  	_ =	shalt  }
0x43: {  	_ =	shalt  }
0x44: {  	_ =	shalt  }
0x45: {  	_ =	shalt  }
0x46: {  	_ =	shalt  }
0x47: {  	_ =	shalt  }
0x48: {  	_ =	shalt  }
0x49: {  	_ =	shalt  }
0x4a: {  	_ =	shalt  }
0x4b: {  	_ =	shalt  }
0x4c: {  	_ =	shalt  }
0x4d: {  	_ =	shalt  }
0x4e: {  	_ =	shalt  }
0x4f: {  	_ =	shalt  }
0x50: {  	_ =	shalt  }
0x51: {  	_ =	shalt  }
0x52: {  	_ =	shalt  }
0x53: {  	_ =	shalt  }
0x54: {  	_ =	shalt  }
0x55: {  	_ =	shalt  }
0x56: {  	_ =	shalt  }
0x57: {  	_ =	shalt  }
0x58: {  	_ =	shalt  }
0x59: {  	_ =	shalt  }
0x5a: {  	_ =	shalt  }
0x5b: {  	_ =	shalt  }
0x5c: {  	_ =	shalt  }
0x5d: {  	_ =	shalt  }
0x5e: {  	_ =	shalt  }
0x5f: {  	_ =	shalt  }
0x60: {  	_ =	shalt  }
0x61: {  	_ =	shalt  }
0x62: {  	_ =	shalt  }
0x63: {  	_ =	shalt  }
0x64: {  	_ =	shalt  }
0x65: {  	_ =	shalt  }
0x66: {  	_ =	shalt  }
0x67: {  	_ =	shalt  }
0x68: {  	_ =	shalt  }
0x69: {  	_ =	shalt  }
0x6a: {  	_ =	shalt  }
0x6b: {  	_ =	shalt  }
0x6c: {  	_ =	shalt  }
0x6d: {  	_ =	shalt  }
0x6e: {  	_ =	shalt  }
0x6f: {  	_ =	shalt  }
0x70: {  	_ =	shalt  }
0x71: {  	_ =	shalt  }
0x72: {  	_ =	shalt  }
0x73: {  	_ =	shalt  }
0x74: {  	_ =	shalt  }
0x75: {  	_ =	shalt  }
0x76: {  	_ =	shalt  }
0x77: {  	_ =	shalt  }
0x78: {  	_ =	shalt  }
0x79: {  	_ =	shalt  }
0x7a: {  	_ =	shalt  }
0x7b: {  	_ =	shalt  }
0x7c: {  	_ =	shalt  }
0x7d: {  	_ =	shalt  }
0x7e: {  	_ =	shalt  }
0x7f: {  	_ =	shalt  }
0x80: {  	_ =	shalt  }
0x81: {  	_ =	shalt  }
0x82: {  	_ =	shalt  }
0x83: {  	_ =	shalt  }
0x84: {  	_ =	shalt  }
0x85: {  	_ =	shalt  }
0x86: {  	_ =	shalt  }
0x87: {  	_ =	shalt  }
.Lfunc_end0:
.L_simem_size_0:
called_computation_lowered:
.L_overlay_start_0:
0x88: {  	s2 =	sld [smem:$0x3FD9]  }
0x89: {  	s3 =	sld [smem:$0x3FFE];
	_ =	sdelay $0x1  }
0x8a: {  	s1 =	srdreg.scid  }
0x8b: {  	s0 =	sand.u32 $0x1, s1  }
0x8c: {  	s17 =	sshll.u32 s0, $0xA;
	s2 =	sadd.s32 s3, s2  }
0x8d: {  	s2 =	sadd.s32 s2, s17  }
0x8e: {  	[smem:$0x3FC3] =	sst s2  }
0x8f: {  	_ = 	snop  }
0x90: {  	s2 =	sld [smem:$0x3FD0];
	(tm) =	ssettm $0x1  }
0x91: {  	s18 =	sld [smem:$0x3FFB];
	_ =	sdelay $0x3  }
0x92: {  	_ =	strace s18  }
0x93: {  	s3 =	sld [smem:$0x3FFC];
	_ =	sdelay $0x3  }
0x94: {  	_ =	strace s3  }
0x95: {  	s3 =	sld [smem:$0x3FFD];
	_ =	sdelay $0x3  }
0x96: {  	_ =	strace s3  }
0x97: {  	_ =	strace $0x8FFFFFFF  }
0x98: {  	s19 =	sld [smem:$0x3FDB];
	_ =	sdelay $0x1  }
0x99: {  	s4 =	simm.s32 $_scs_section_size  }
0x9a: {  	s5 =	simm.s32 $_size__tile_overlayer_lowered;
	s6 =	simm.s32 $_tile_overlayer_lowered  }
0x9b: {  	s22 =	simm.s32 $0x1BFF;
	s21 =	sshll.u32 s6, $0x1;
	s3 =	sadd.s32 s4, s19  }
0x9c: {  	s7 =	simm.s32 $0x0;
	s20 =	sshll.u32 s5, $0x1;
	s5 =	sadd.s32 s21, s3  }
0x9d: {  	[timem:s7], [sflag:s22] =	dma.local [hbm:s5], s20  }
0x9e: {  	_ =	swait.ge [sflag:s22], s20  }
0x9f: {  	s4 =	ssub.s32 $0x0, s20;
	[sflag:s22] =	ssyncset.done $0x0  }
0xa0: {  	[sflag:s22] =	ssyncadd.s32 s4;
	_ =	sdelay $0x1  }
0xa1: {  	s23 =	simm.s32 $0x1B8B  }
0xa2: {  	_ =	swait.ge [sflag:s23], $0x1  }
0xa3: {  	[sflag:s23] =	ssyncset.done $0x0  }
0xa4: {  	s25 =	simm.s32 $0x1B8E;
	s24 =	sld [smem:$0x3FFE];
	[sflag:s23] =	ssyncadd.s32 $0xFFFFFFFF  }
0xa5: {  	s26 =	simm.s32 $execute0_lowered;
	[smem:$0x3FD2] =	sst s25  }
0xa6: {  	s5 =	sshll.u32 s26, $0x1;
	_ =	strace $0x80000046;
	[dreg:$0x1] =	wrdreg $0xFFFFFFFF  }
0xa7: {  	s28 =	simm.s32 $_size_execute0_lowered;
	s3 =	sadd.s32 s3, s5;
	[dreg:$0x0] =	wrdreg $0x0  }
0xa8: {  	s5 =	sshll.u32 s28, $0x1;
	[dreg:$0x2] =	wrdreg s3  }
0xa9: {  	[dreg:$0x3] =	wrdreg s5  }
0xaa: {  	[dreg:$0x4] =	wrdreg $0xC0  }
0xab: {  	_ =	task [dreg:s7], $0x5FFFF  }
0xac: {  	[dreg:$0x1] =	wrdreg $0xFFFFFFFF  }
0xad: {  	[dreg:$0x0] =	wrdreg $0x60  }
0xae: {  	[dreg:$0x2] =	wrdreg s24  }
0xaf: {  	[dreg:$0x3] =	wrdreg s2  }
0xb0: {  	[dreg:$0x4] =	wrdreg $0x9  }
0xb1: {  	_ =	task.clear_ibuf [dreg:s7], $0x5FFFF;
	_ =	strace $0x90000046  }
0xb2: {  	s29 =	simm.s32 $0x9;
	_ =	strace $0x80000048  }
0xb3: {  	_ =	swait.ge [sflag:s29], $0x1  }
0xb4: {  	[sflag:s29] =	ssyncadd.s32 $0xFFFFFFFF  }
0xb5: {  	_ =	strace $0x90000048  }
0xb6: {  	_ =	sfence  }
0xb7: {  	s30 =	sld [smem:$0x0];
	_ =	sdelay $0x2  }
0xb8: {  	s31 =	sshll.u32 s1, $0xD;
	s1 =	sshrl.u32 s1, $0x2  }
0xb9: {  	s3 =	sand.u32 $0x4000, s31;
	s1 =	sadd.s32 s1, s30  }
0xba: {  	s0 =	sor.u32 s3, s0;
	s1 =	sshll.u32 s1, $0x11  }
0xbb: {  	s0 =	sor.u32 s1, s0  }
0xbc: {  	s0 =	sadd.s32 $0x8F2B, s0  }
0xbd: {  	[sflag:s0] =	ssyncadd.remote.s32 $0x1  }
0xbe: {  	_ =	sfence.sel $0xFFFF  }
0xbf: {  	[dreg:$0x0] =	wrdreg $0xFFFFFFFF;
	(pc) =	sbr.abs _section_cstart, $3  }
0xc0: {  	[dreg:$0x1] =	wrdreg $0xFFFFFFFF  }
0xc1: {  	_ =	task.clear_ibuf [dreg:s7], $0x2FFFF;
	_ =	strace $0x9FFFFFFF  }
0xc2: {  	(tm) =	ssettm $0x7FFFFFFF  }
0xc3: {  	_ =	shalt  }
tec
execute0_lowered:
.L_overlay_start_1:
0x0: {  	(tag) =	ssettag $0x1  }
0x1: {  	s5 =	rddreg [dreg:$0x0];
	s1 =	srdreg.scid  }
0x2: {  	s0 =	stileid.u32;
	s6 =	rddreg [dreg:$0x1];
	s2 =	simm.s32 $0x0  }
0x3: {  	s12 =	simm.s32 $0x2800;
	s13 =	simm.s32 $0x7000;
	s14 =	simm.s32 $0x4000  }
0x4: {  	s15 =	simm.s32 $0x1480;
	s16 =	simm.s32 $0x7800;
	s17 =	simm.s32 $0x1  }
0x5: {  	s18 =	simm.s32 $0x2;
	s19 =	simm.s32 $0x30;
	s20 =	simm.s32 $0x40  }
0x6: {  	s21 =	simm.s32 $0x10;
	s22 =	simm.s32 $0x3;
	s23 =	simm.s32 $0x0  }
0x7: {  	s7 =	sand.u32 $0x1, s1;
	s3 =	sshll.u32 s0, $0x1;
	s1 =	rddreg [dreg:$0x2]  }
0x8: {  	[smem:$0x7FF] =	sst s2;
	s9 =	smul.u32 $0x14000, s0;
	s4 =	sadd.s32 $0x11200, s5  }
0x9: {  	s3 =	sor.u32 s7, s3;
	s10 =	ssub.s32 $0x2, s7;
	s7 =	smul.u32 $0xA000, s7  }
0xa: {  	_ =	strace $0x80000047;
	s8 =	smul.u32 $0x280, s3;
	s30 =	sshrl.u32 s10, $0x1  }
0xb: {  	s3 =	sadd.s32 $0x2600, s5;
	s9 =	sadd.s32 s9, s5;
	s10 =	ssub.s32 s10, s30  }
0xc: {  	s31 =	sadd.s32 s7, s9;
	s9 =	simm.s32 $0x4;
	s11 =	sadd.s32 s8, s5  }
0xd: {  	s5 =	sadd.s32 s6, s8;
	s7 =	smax.u32 s10, $0x1;
	s8 =	sadd.s32 $0x1B206, s31  }
0xe: {  	s10 =	simm.s32 $0x1400;
	s6 =	sadd.s32 $0x16200, s11;
	s11 =	simm.s32 $0x80  }
.LBB2_1:
0xf: {  	[tilespmem:s2], [sflag:$0x4] =	stream.linear.gather [hbm4b:s5+s2], $0x1400, $0x38;
	[tilespmem:$0x8800] =	vst v63  }
0x10: {  	_ =	swait.ge [sflag:s9], $0x1400  }
0x11: {  	[sflag:s9] =	ssyncset.done $0x0  }
0x12: {  	[sflag:s9] =	ssyncadd.s32 $0xFFFFEC00  }
0x13: {  	[tilespmem:s10], [sflag:$0x4] =	stream.linear.gather [hbm4b:s6+s2], $0x1400, $0x38;
	[tilespmem:$0x8800] =	vst v63  }
0x14: {  	_ =	swait.ge [sflag:s9], $0x1400  }
0x15: {  	[sflag:s9] =	ssyncset.done $0x0  }
0x16: {  	[sflag:s9] =	ssyncadd.s32 $0xFFFFEC00  }
0x17: {  	[tilespmem:s12], [sflag:$0x1] =	stream.indirect.gather [hbm4b:s3+s11], $0x30, s2, s11, $0xb8;
	[tilespmem:$0x8800] =	vst v63  }
0x18: {  	_ = 	snop  }
0x19: {  	[tilespmem:s13], [sflag:$0x2] =	stream.indirect.gather [hbm4b:s4+s11], $0x10, s10, s11, $0xb8;
	[tilespmem:$0x8800] =	vst v63  }
0x1a: {  	s24 =	simm.s32 $0x100  }
0x1b: {  	[tilespmem:s14], [sflag:$0x1] =	stream.indirect.gather [hbm4b:s3+s11], $0x30, s11, s11, $0xb8;
	[tilespmem:$0x8800] =	vst v63  }
0x1c: {  	s25 =	simm.s32 $0x1500;
	s26 =	smov.u32 s8;
	s28 =	simm.s32 $0x0  }
0x1d: {  	[tilespmem:s16], [sflag:$0x2] =	stream.indirect.gather [hbm4b:s4+s11], $0x10, s15, s11, $0xb8;
	[tilespmem:$0x8800] =	vst v63  }
.LBB2_2:
0x1e: {  	p0 =	seq.s32 s28, $0x0  }
0x1f: {  	s29 =	simm.s32 @!p0 $0x3  }
0x20: {  	_ =	swait.ge @!p0 [sflag:s29], $0x1800  }
0x21: {  	[sflag:s29] =	ssyncset.done @!p0 $0x0  }
0x22: {  	[sflag:s29] =	ssyncadd.s32 @!p0 $0xFFFFE800  }
0x23: {  	p1 =	sgt.u32 @!p0 s28, $0x25;
	_ =	swait.ge @!p0 [sflag:s29], $0x800  }
0x24: {  	p1 =	por p0, !p1;
	[sflag:s29] =	ssyncset.done @!p0 $0x0  }
0x25: {  	[sflag:s29] =	ssyncadd.s32 @!p0 $0xFFFFF800;
	s29 =	sadd.s32 @p1 $0x2, s28  }
0x26: {  	s30 =	smul.u32 @p1 $0xAB, s29;
	_ =	sdelay $0x1  }
0x27: {  	s30 =	sshrl.u32 @p1 s30, $0x9  }
0x28: {  	s30 =	sand.u32 @p1 $0x7F, s30  }
0x29: {  	s30 =	smul.u32 @p1 $0x3, s30;
	_ =	sdelay $0x1  }
0x2a: {  	s29 =	ssub.s32 @p1 s29, s30  }
0x2b: {  	s29 =	sand.u32 @p1 $0xFF, s29  }
0x2c: {  	s30 =	smul.u32 @p1 $0x6000, s29;
	_ =	sdelay $0x1  }
0x2d: {  	s30 =	sshrl.u32 @p1 s30, $0x2  }
0x2e: {  	s29 =	sshll.u32 @p1 s29, $0xB;
	s30 =	sadd.s32 @p1 $0x2800, s30  }
0x2f: {  	[tilespmem:s30], [sflag:$0x1] =	stream.indirect.gather @p1 [hbm4b:s3+s11], $0x30, s24, s11, $0xb8;
	[tilespmem:$0x8800] =	vst v63  }
0x30: {  	s29 =	sadd.s32 @p1 $0x7000, s29;
	s30 =	smul.u32 $0xAB, s28  }
0x31: {  	[tilespmem:s29], [sflag:$0x2] =	stream.indirect.gather @p1 [hbm4b:s4+s11], $0x10, s25, s11, $0xb8;
	[tilespmem:$0x8800] =	vst v63  }
0x32: {  	s29 =	sshrl.u32 s30, $0x9  }
0x33: {  	s29 =	sand.u32 $0x7F, s29  }
0x34: {  	s29 =	smul.u32 $0x3, s29  }
0x35: {  	_ =	swait.ge [sflag:s17], $0x1800  }
0x36: {  	[sflag:s17] =	ssyncset.done $0x0;
	s29 =	ssub.s32 s28, s29  }
0x37: {  	[sflag:s17] =	ssyncadd.s32 $0xFFFFE800;
	s29 =	sand.u32 $0xFF, s29  }
0x38: {  	_ =	swait.ge [sflag:s18], $0x800;
	s28 =	sadd.s32 $0x1, s28;
	s31 =	smul.u32 $0x6000, s29  }
0x39: {  	[sflag:s18] =	ssyncset.done $0x0;
	p0 =	sne.s32 s28, $0x28  }
0x3a: {  	s29 =	sshll.u32 s29, $0xB;
	[sflag:s18] =	ssyncadd.s32 $0xFFFFF800;
	s30 =	sshrl.u32 s31, $0x2  }
.Ltmp0:
0x3b: {  	s31 =	sadd.s32 $0xFFFFFFFA, s26;
	s30 =	sadd.s32 $0x2800, s30;
	(pc) =	sbr.rel @p0 .LBB2_2-.Ltmp0, $4  }
0x3c: {  	[hbm4b:s31+s19] =	stream.strided.scatter [tilespmem:s30], [sflag:$0x3], $0x1800, s20, s19, $0x38;
	[tilespmem:$0x8800] =	vst v63  }
0x3d: {  	s29 =	sadd.s32 $0x7000, s29  }
0x3e: {  	[hbm4b:s26+s21] =	stream.strided.scatter [tilespmem:s29], [sflag:$0x3], $0x800, s20, s21, $0x38;
	[tilespmem:$0x8800] =	vst v63  }
0x3f: {  	s24 =	sadd.s32 $0x80, s24;
	s25 =	sadd.s32 $0x80, s25;
	s26 =	sadd.s32 $0x400, s26  }
0x40: {  	s23 =	sadd.s32 $0x1, s23  }
0x41: {  	_ =	swait.ge [sflag:s22], $0x1800;
	p0 =	sne.s32 s23, s7  }
.Ltmp1:
0x42: {  	[sflag:s22] =	ssyncset.done $0x0;
	(pc) =	sbr.rel @p0 .LBB2_1-.Ltmp1, $4  }
0x43: {  	[sflag:s22] =	ssyncadd.s32 $0xFFFFE800  }
0x44: {  	_ =	swait.ge [sflag:s22], $0x800  }
0x45: {  	[sflag:s22] =	ssyncset.done $0x0  }
0x46: {  	[sflag:s22] =	ssyncadd.s32 $0xFFFFF800  }
0x47: {  	_ =	sfence.sel $0x180000  }
0x48: {  	[bflag:$0x0] =	sbarrier.arrive $0xFFFF  }
0x49: {  	p0 =	sne.s32 s0, $0x0;
	_ =	strace $0x90000047  }
0x4a: {  	s0 =	sadd.s32 @!p0 $0x100000, s1;
	[bflag:$0x2] =	sbarrier.arrive $0xFFFF  }
0x4b: {  	[sflag:s0] =	ssyncadd.tile.s32 @!p0 $0x1;
	_ =	shalt  }
.Lfunc_end2:
_tile_overlayer_lowered:
.L_overlay_start_2:
0x4c: {  	(tag) =	ssettag $0x2  }
0x4d: {  	s0 =	rddreg [dreg:$0x0];
	s2 =	stileid.u32  }
0x4e: {  	s1 =	rddreg [dreg:$0x1];
	p0 =	sne.s32 s2, $0x0  }
0x4f: {  	s3 =	rddreg [dreg:$0x2];
	[bflag:$0x3] =	sbarrier.arrive $0xFFFF;
	s2 =	simm.s32 @!p0 $0x1C04  }
0x50: {  	[timem:s3], [sflag:s2] =	dma.local @!p0 [hbm:s0], s1  }
0x51: {  	s0 =	simm.s32 @!p0 $0x4  }
0x52: {  	_ =	swait.ge @!p0 [sflag:s0], s1  }
0x53: {  	s1 =	ssub.s32 @!p0 $0x0, s1;
	[sflag:s0] =	ssyncset.done @!p0 $0x0  }
0x54: {  	[sflag:s0] =	ssyncadd.s32 @!p0 s1  }
0x55: {  	[bflag:$0x3] =	sbarrier.arrive $0xFFFF  }
0x56: {  	_ =	shalt  }

// kernel: kernel.9.cloned.1.call-start
scs
__scs_entry_jumppad:
0x0: {  	(pc) =	sbr.rel $0x88, $3  }
0x1: {  	(tag) =	ssettag $0x0;
	lr =	simm.s32 $0x1  }
0x2: {  	[smem:$0x3F9C] =	sst lr;
	_ =	strace $0xD0000000  }
0x3: {  	_ = 	snop  }
0x4: {  	_ = 	snop  }
0x5: {  	_ = 	snop  }
0x6: {  	_ = 	snop  }
0x7: {  	_ = 	snop  }
__scs_overlays_trampoline_lowered:
0x8: {  	[smem:$0x3FAB] =	sst s0  }
0x9: {  	[smem:$0x3FAC] =	sst s1  }
0xa: {  	[smem:$0x3FAD] =	sst s2  }
0xb: {  	[smem:$0x3FAE] =	sst s3  }
0xc: {  	[smem:$0x3FAF] =	sst s4  }
0xd: {  	[smem:$0x3FB0] =	sst s5  }
0xe: {  	[smem:$0x3FB1] =	sst s6  }
0xf: {  	[smem:$0x3FB2] =	sst s7  }
0x10: {  	[smem:$0x3FB3] =	sst s8  }
0x11: {  	[smem:$0x3FB4] =	sst s9;
	s0 =	simm.s32 @!p0 $0x0  }
0x12: {  	s1 =	sld [smem:$0x3F9A];
	s0 =	simm.s32 @p0 $0x1  }
0x13: {  	[smem:$0x3FB5] =	sst s0;
	s0 =	simm.s32 @!p1 $0x0  }
0x14: {  	s2 =	sld [smem:$0x3F99];
	s0 =	simm.s32 @p1 $0x1  }
0x15: {  	[smem:$0x3FB6] =	sst s0;
	s0 =	simm.s32 @!p2 $0x0  }
0x16: {  	s3 =	sld [smem:$0x3FDB];
	s0 =	simm.s32 @p2 $0x1  }
0x17: {  	s4 =	simm.s32 $0x1BF5;
	[smem:$0x3FB8] =	sst s0  }
0x18: {  	s0 =	sld [smem:$0x3F9B];
	_ =	swait.ge [sflag:s4], $0x0  }
0x19: {  	s7 =	sld [smem:$0x3F9C]  }
0x1a: {  	s8 =	sadd.s32 $0xFFFFE003, lr  }
0x1b: {  	s9 =	sadd.s32 $0xFFFFFEF7, lr;
	s5 =	simm.s32 $0xFFFFFFFF;
	p2 =	slt.u32 s8, $0xFFFFF086  }
0x1c: {  	p1 =	slt.u32 s9, $0xF7A;
	s5 =	simm.s32 @!p2 $0x0  }
0x1d: {  	s5 =	simm.s32 @p1 $0x1;
	p0 =	seq.s32 s7, s2  }
0x1e: {  	s7 =	smul.u32 @!p0 $0xF7A, s2;
	p2 =	seq.s32 @!p0 s5, $0x0  }
0x1f: {  	s9 =	smul.u32 $0xF7A, s1;
	s8 =	simm.s32 @!p0 $0x1BF5;
	p2 =	por !p2, p0  }
0x20: {  	[sflag:s8] =	ssyncset.s32 @!p0 $0xFFFFF086;
	s6 =	sadd.s32 @!p0 s3, s7;
	s7 =	simm.s32 @!p0 $0x108  }
0x21: {  	s3 =	sadd.s32 s3, s9;
	s6 =	sadd.s32 @!p0 $0x88, s6;
	s7 =	simm.s32 @p2 $0x1082  }
0x22: {  	[simem:s7], [sflag:s8] =	dma.local @!p0 [hbm:s6], $0xF7A  }
0x23: {  	s9 =	sor.u32 $0xD0000000, s2;
	s6 =	simm.s32 $0x108;
	_ =	swait.ge @!p0 [sflag:s8], $0x0  }
0x24: {  	s3 =	sadd.s32 $0x88, s3;
	s6 =	simm.s32 @!p1 $0x1082;
	[sflag:s4] =	ssyncset.s32 $0xFFFFF086  }
0x25: {  	[simem:s6], [sflag:s4] =	dma.local [hbm:s3], $0xF7A  }
0x26: {  	[smem:$0x3F9C] =	sst s1;
	(tag) =	ssettag s2;
	_ =	strace s9  }
0x27: {  	s1 =	sld [smem:$0x3FAC]  }
0x28: {  	s2 =	sld [smem:$0x3FAD]  }
0x29: {  	s4 =	sld [smem:$0x3FAF]  }
0x2a: {  	p0 =	seq.s32 s5, $0x0;
	s5 =	sld [smem:$0x3FB0]  }
0x2b: {  	s6 =	sld [smem:$0x3FB1]  }
0x2c: {  	s7 =	sld [smem:$0x3FB2]  }
0x2d: {  	s3 =	simm.s32 $0x108;
	s8 =	sld [smem:$0x3FB3]  }
0x2e: {  	s3 =	simm.s32 @!p0 $0x1082;
	s9 =	sld [smem:$0x3FB4]  }
0x2f: {  	lr =	sadd.s32 s0, s3;
	s0 =	sld [smem:$0x3FAB]  }
0x30: {  	s3 =	sld [smem:$0x3FAE]  }
0x31: {  	[smem:$0x3FB7] =	sst s10  }
0x32: {  	s10 =	sld [smem:$0x3FB5];
	_ =	sdelay $0x3  }
0x33: {  	p0 =	seq.s32 s10, $0x1;
	s10 =	sld [smem:$0x3FB7];
	_ =	sdelay $0x3  }
0x34: {  	[smem:$0x3FB7] =	sst s10  }
0x35: {  	s10 =	sld [smem:$0x3FB6];
	_ =	sdelay $0x3  }
0x36: {  	p1 =	seq.s32 s10, $0x1;
	s10 =	sld [smem:$0x3FB7];
	_ =	sdelay $0x3  }
0x37: {  	[smem:$0x3FB7] =	sst s10  }
0x38: {  	s10 =	sld [smem:$0x3FB8]  }
0x39: {  	_ = 	snop;
	(pc) =	sbr.ind lr, $3  }
0x3a: {  	_ = 	snop  }
0x3b: {  	_ = 	snop  }
0x3c: {  	p2 =	seq.s32 s10, $0x1;
	s10 =	sld [smem:$0x3FB7]  }
0x3d: {  	_ =	shalt  }
0x3e: {  	_ =	shalt  }
0x3f: {  	_ =	shalt  }
0x40: {  	_ =	shalt  }
0x41: {  	_ =	shalt  }
0x42: {  	_ =	shalt  }
0x43: {  	_ =	shalt  }
0x44: {  	_ =	shalt  }
0x45: {  	_ =	shalt  }
0x46: {  	_ =	shalt  }
0x47: {  	_ =	shalt  }
0x48: {  	_ =	shalt  }
0x49: {  	_ =	shalt  }
0x4a: {  	_ =	shalt  }
0x4b: {  	_ =	shalt  }
0x4c: {  	_ =	shalt  }
0x4d: {  	_ =	shalt  }
0x4e: {  	_ =	shalt  }
0x4f: {  	_ =	shalt  }
0x50: {  	_ =	shalt  }
0x51: {  	_ =	shalt  }
0x52: {  	_ =	shalt  }
0x53: {  	_ =	shalt  }
0x54: {  	_ =	shalt  }
0x55: {  	_ =	shalt  }
0x56: {  	_ =	shalt  }
0x57: {  	_ =	shalt  }
0x58: {  	_ =	shalt  }
0x59: {  	_ =	shalt  }
0x5a: {  	_ =	shalt  }
0x5b: {  	_ =	shalt  }
0x5c: {  	_ =	shalt  }
0x5d: {  	_ =	shalt  }
0x5e: {  	_ =	shalt  }
0x5f: {  	_ =	shalt  }
0x60: {  	_ =	shalt  }
0x61: {  	_ =	shalt  }
0x62: {  	_ =	shalt  }
0x63: {  	_ =	shalt  }
0x64: {  	_ =	shalt  }
0x65: {  	_ =	shalt  }
0x66: {  	_ =	shalt  }
0x67: {  	_ =	shalt  }
0x68: {  	_ =	shalt  }
0x69: {  	_ =	shalt  }
0x6a: {  	_ =	shalt  }
0x6b: {  	_ =	shalt  }
0x6c: {  	_ =	shalt  }
0x6d: {  	_ =	shalt  }
0x6e: {  	_ =	shalt  }
0x6f: {  	_ =	shalt  }
0x70: {  	_ =	shalt  }
0x71: {  	_ =	shalt  }
0x72: {  	_ =	shalt  }
0x73: {  	_ =	shalt  }
0x74: {  	_ =	shalt  }
0x75: {  	_ =	shalt  }
0x76: {  	_ =	shalt  }
0x77: {  	_ =	shalt  }
0x78: {  	_ =	shalt  }
0x79: {  	_ =	shalt  }
0x7a: {  	_ =	shalt  }
0x7b: {  	_ =	shalt  }
0x7c: {  	_ =	shalt  }
0x7d: {  	_ =	shalt  }
0x7e: {  	_ =	shalt  }
0x7f: {  	_ =	shalt  }
0x80: {  	_ =	shalt  }
0x81: {  	_ =	shalt  }
0x82: {  	_ =	shalt  }
0x83: {  	_ =	shalt  }
0x84: {  	_ =	shalt  }
0x85: {  	_ =	shalt  }
0x86: {  	_ =	shalt  }
0x87: {  	_ =	shalt  }
.Lfunc_end0:
.L_simem_size_0:
called_computation.1_lowered:
.L_overlay_start_0:
0x88: {  	s2 =	sld [smem:$0x3FD9]  }
0x89: {  	s3 =	sld [smem:$0x3FFE];
	_ =	sdelay $0x1  }
0x8a: {  	s1 =	srdreg.scid  }
0x8b: {  	s0 =	sand.u32 $0x1, s1  }
0x8c: {  	s17 =	sshll.u32 s0, $0xA;
	s2 =	sadd.s32 s3, s2  }
0x8d: {  	s2 =	sadd.s32 s2, s17  }
0x8e: {  	[smem:$0x3FC3] =	sst s2  }
0x8f: {  	_ = 	snop  }
0x90: {  	s2 =	sld [smem:$0x3FD0];
	(tm) =	ssettm $0x1  }
0x91: {  	s18 =	sld [smem:$0x3FFB];
	_ =	sdelay $0x3  }
0x92: {  	_ =	strace s18  }
0x93: {  	s3 =	sld [smem:$0x3FFC];
	_ =	sdelay $0x3  }
0x94: {  	_ =	strace s3  }
0x95: {  	s3 =	sld [smem:$0x3FFD];
	_ =	sdelay $0x3  }
0x96: {  	_ =	strace s3  }
0x97: {  	_ =	strace $0x8FFFFFFF  }
0x98: {  	s19 =	sld [smem:$0x3FDB];
	_ =	sdelay $0x1  }
0x99: {  	s4 =	simm.s32 $_scs_section_size  }
0x9a: {  	s5 =	simm.s32 $_size__tile_overlayer_lowered;
	s6 =	simm.s32 $_tile_overlayer_lowered  }
0x9b: {  	s22 =	simm.s32 $0x1BFF;
	s21 =	sshll.u32 s6, $0x1;
	s3 =	sadd.s32 s4, s19  }
0x9c: {  	s7 =	simm.s32 $0x0;
	s20 =	sshll.u32 s5, $0x1;
	s5 =	sadd.s32 s21, s3  }
0x9d: {  	[timem:s7], [sflag:s22] =	dma.local [hbm:s5], s20  }
0x9e: {  	_ =	swait.ge [sflag:s22], s20  }
0x9f: {  	s4 =	ssub.s32 $0x0, s20;
	[sflag:s22] =	ssyncset.done $0x0  }
0xa0: {  	[sflag:s22] =	ssyncadd.s32 s4;
	_ =	sdelay $0x1  }
0xa1: {  	s23 =	simm.s32 $0x1B8B  }
0xa2: {  	_ =	swait.ge [sflag:s23], $0x1  }
0xa3: {  	[sflag:s23] =	ssyncset.done $0x0  }
0xa4: {  	s25 =	simm.s32 $0x1B8E;
	s24 =	sld [smem:$0x3FFE];
	[sflag:s23] =	ssyncadd.s32 $0xFFFFFFFF  }
0xa5: {  	s26 =	simm.s32 $execute0_lowered;
	[smem:$0x3FD2] =	sst s25  }
0xa6: {  	s5 =	sshll.u32 s26, $0x1;
	_ =	strace $0x80000049;
	[dreg:$0x1] =	wrdreg $0xFFFFFFFF  }
0xa7: {  	s28 =	simm.s32 $_size_execute0_lowered;
	s3 =	sadd.s32 s3, s5;
	[dreg:$0x0] =	wrdreg $0x0  }
0xa8: {  	s5 =	sshll.u32 s28, $0x1;
	[dreg:$0x2] =	wrdreg s3  }
0xa9: {  	[dreg:$0x3] =	wrdreg s5  }
0xaa: {  	[dreg:$0x4] =	wrdreg $0xC0  }
0xab: {  	_ =	task [dreg:s7], $0x5FFFF  }
0xac: {  	[dreg:$0x1] =	wrdreg $0xFFFFFFFF  }
0xad: {  	[dreg:$0x0] =	wrdreg $0x60  }
0xae: {  	[dreg:$0x2] =	wrdreg s24  }
0xaf: {  	[dreg:$0x3] =	wrdreg s2  }
0xb0: {  	[dreg:$0x4] =	wrdreg $0x0  }
0xb1: {  	[dreg:$0x5] =	wrdreg $0x9  }
0xb2: {  	_ =	task.clear_ibuf [dreg:s7], $0x6FFFF;
	_ =	strace $0x90000049  }
0xb3: {  	s29 =	simm.s32 $0x9;
	_ =	strace $0x8000004B  }
0xb4: {  	_ =	swait.ge [sflag:s29], $0x1  }
0xb5: {  	[sflag:s29] =	ssyncadd.s32 $0xFFFFFFFF  }
0xb6: {  	_ =	strace $0x9000004B  }
0xb7: {  	_ =	sfence  }
0xb8: {  	s30 =	sld [smem:$0x0];
	_ =	sdelay $0x2  }
0xb9: {  	s31 =	sshll.u32 s1, $0xD;
	s1 =	sshrl.u32 s1, $0x2  }
0xba: {  	s3 =	sand.u32 $0x4000, s31;
	s1 =	sadd.s32 s1, s30  }
0xbb: {  	s0 =	sor.u32 s3, s0;
	s1 =	sshll.u32 s1, $0x11  }
0xbc: {  	s0 =	sor.u32 s1, s0  }
0xbd: {  	s0 =	sadd.s32 $0x8F2B, s0  }
0xbe: {  	[sflag:s0] =	ssyncadd.remote.s32 $0x1  }
0xbf: {  	_ =	sfence.sel $0xFFFF  }
0xc0: {  	[dreg:$0x0] =	wrdreg $0xFFFFFFFF;
	(pc) =	sbr.abs _section_cstart, $3  }
0xc1: {  	[dreg:$0x1] =	wrdreg $0xFFFFFFFF  }
0xc2: {  	_ =	task.clear_ibuf [dreg:s7], $0x2FFFF;
	_ =	strace $0x9FFFFFFF  }
0xc3: {  	(tm) =	ssettm $0x7FFFFFFF  }
tec
execute0_lowered:
.L_overlay_start_1:
0x0: {  	(tag) =	ssettag $0x1  }
0x1: {  	s5 =	rddreg [dreg:$0x0]  }
0x2: {  	s6 =	rddreg [dreg:$0x1]  }
0x3: {  	s1 =	rddreg [dreg:$0x2];
	s2 =	srdreg.scid  }
0x4: {  	s0 =	rddreg [dreg:$0x3];
	s7 =	sand.u32 $0x1, s2  }
0x5: {  	s3 =	simm.s32 $0x0;
	s2 =	stileid.u32;
	s8 =	smul.u32 $0x14000, s7  }
0x6: {  	[smem:$0x7FF] =	sst s3;
	s10 =	smul.u32 $0xA000, s2  }
0x7: {  	s11 =	sadd.s32 $0x15B200, s5;
	s4 =	sshll.u32 s2, $0x1;
	s28 =	smul.u32 $0x14000, s2  }
0x8: {  	_ =	strace $0x8000004A;
	s16 =	smul.u32 $0xA000, s7;
	s9 =	sor.u32 s7, s4  }
0x9: {  	s12 =	ssub.s32 $0x2, s7;
	s29 =	sshll.u32 s2, $0x6;
	s13 =	smul.u32 $0x280, s9  }
0xa: {  	s4 =	sadd.s32 $0x2600, s5;
	s14 =	sshrl.u32 s12, $0x1;
	s9 =	smul.u32 $0xA000, s9  }
0xb: {  	s8 =	sadd.s32 s8, s5;
	s12 =	ssub.s32 s12, s14;
	s15 =	sadd.s32 s10, s1  }
0xc: {  	s5 =	sor.u32 $0x1C02, s29;
	s30 =	sadd.s32 s28, s11;
	s18 =	sshrl.u32 s10, $0x3  }
0xd: {  	s14 =	simm.s32 $0x80;
	s17 =	sadd.s32 $0x3A00, s8;
	s31 =	sadd.s32 s16, s30  }
0xe: {  	s8 =	smax.u32 s12, $0x1;
	s10 =	sshrl.u32 s15, $0x3;
	s12 =	simm.s32 $0xB400  }
0xf: {  	s15 =	simm.s32 $0xB380;
	s16 =	simm.s32 $0xD400;
	s6 =	sadd.s32 s6, s13  }
0x10: {  	s7 =	sadd.s32 s11, s9;
	s9 =	sadd.s32 $0x400, s31;
	s11 =	simm.s32 $0x2  }
0x11: {  	s13 =	simm.s32 $0x1;
	s17 =	sadd.s32 s18, s17;
	s18 =	simm.s32 $0x0  }
.LBB2_1:
0x12: {  	[spmem:s10], [sflag:s5] =	dma.local [hbm:s4], $0x1400  }
0x13: {  	_ =	swait.ge [sflag:s11], $0x1400  }
0x14: {  	[sflag:s11] =	ssyncset.done $0x0  }
0x15: {  	s19 =	simm.s32 $0xA000;
	[sflag:s11] =	ssyncadd.s32 $0xFFFFEC00  }
0x16: {  	[tilespmem:s19], [sflag:$0x2] =	stream.linear.gather [hbm4b:s6+s3], $0x1400, $0x38;
	[tilespmem:$0xF400] =	vst v63  }
0x17: {  	_ =	swait.ge [sflag:s11], $0x1400  }
0x18: {  	[sflag:s11] =	ssyncset.done $0x0  }
0x19: {  	[sflag:s11] =	ssyncadd.s32 $0xFFFFEC00  }
0x1a: {  	[tilespmem:s12], [sflag:$0x1] =	stream.linear.gather [hbm4b:s7+s3], $0x2000, $0x38;
	[tilespmem:$0xF400] =	vst v63  }
0x1b: {  	s20 =	simm.s32 $0x8000;
	[bflag:$0x0] =	sbarrier.arrive $0xFFFF  }
0x1c: {  	s21 =	simm.s32 $0x0;
	s20 =	sand.u32 $0x8000, s20;
	_ =	swait.ge [sflag:s13], $0x2000  }
0x1d: {  	s21 =	sand.u32 $0x8000, s21;
	s20 =	sshrl.u32 s20, $0x2;
	[sflag:s13] =	ssyncset.done $0x0  }
0x1e: {  	s31 =	sshrl.u32 s21, $0x2;
	s20 =	sadd.s32 $0xB400, s20;
	[sflag:s13] =	ssyncadd.s32 $0xFFFFE000  }
0x1f: {  	[tilespmem:s20], [sflag:$0x1] =	stream.linear.gather [hbm4b:s9+s3], $0x2000, $0x38;
	[tilespmem:$0xF400] =	vst v63  }
0x20: {  	s20 =	sadd.s32 $0xB400, s31  }
0x21: {  	[spmem:s1] =	stream.indirect.scatter.add.f32 [tilespmem:s20], [sflag:$0x2], $0x40, s19, s14, $0xb8;
	[tilespmem:$0xF400] =	vst v63  }
0x22: {  	s21 =	smov.u32 s9;
	s20 =	simm.s32 $0x10000;
	_ =	swait.ge [sflag:s11], $0x2000  }
.LBB2_2:
0x23: {  	[sflag:s11] =	ssyncset.done $0x0  }
0x24: {  	s19 =	sadd.s32 $0x80, s19;
	s21 =	sadd.s32 $0x400, s21;
	s22 =	smov.u32 s20  }
0x25: {  	p0 =	sne.s32 s20, $0x138000;
	s20 =	sadd.s32 $0x8000, s20;
	[sflag:s11] =	ssyncadd.s32 $0xFFFFE000  }
0x26: {  	s23 =	sand.u32 $0x8000, s22;
	_ =	swait.ge [sflag:s13], $0x2000  }
0x27: {  	s22 =	sadd.s32 $0xFFFF8000, s22;
	s23 =	sshrl.u32 s23, $0x2;
	[sflag:s13] =	ssyncset.done $0x0  }
0x28: {  	s22 =	sand.u32 $0x8000, s22;
	s23 =	sadd.s32 $0xB400, s23;
	[sflag:s13] =	ssyncadd.s32 $0xFFFFE000  }
0x29: {  	[tilespmem:s23], [sflag:$0x1] =	stream.linear.gather [hbm4b:s21+s3], $0x2000, $0x38;
	[tilespmem:$0xF400] =	vst v63  }
.Ltmp0:
0x2a: {  	_ = 	snop;
	(pc) =	sbr.rel @p0 .LBB2_2-.Ltmp0, $4  }
0x2b: {  	s22 =	sshrl.u32 s22, $0x2  }
0x2c: {  	s22 =	sadd.s32 $0xB400, s22  }
0x2d: {  	[spmem:s1] =	stream.indirect.scatter.add.f32 [tilespmem:s22], [sflag:$0x2], $0x40, s19, s14, $0xb8;
	[tilespmem:$0xF400] =	vst v63  }
0x2e: {  	_ =	swait.ge [sflag:s11], $0x2000  }
0x2f: {  	[sflag:s11] =	ssyncset.done $0x0  }
0x30: {  	[sflag:s11] =	ssyncadd.s32 $0xFFFFE000  }
0x31: {  	_ =	swait.ge [sflag:s13], $0x2000  }
0x32: {  	[sflag:s13] =	ssyncset.done $0x0  }
0x33: {  	[sflag:s13] =	ssyncadd.s32 $0xFFFFE000  }
0x34: {  	[spmem:s1] =	stream.indirect.scatter.add.f32 [tilespmem:s16], [sflag:$0x2], $0x40, s15, s14, $0xb8;
	[tilespmem:$0xF400] =	vst v63  }
0x35: {  	_ =	swait.ge [sflag:s11], $0x2000  }
0x36: {  	s18 =	sadd.s32 $0x1, s18;
	[sflag:s11] =	ssyncset.done $0x0  }
0x37: {  	p0 =	sne.s32 s18, s8;
	[sflag:s11] =	ssyncadd.s32 $0xFFFFE000  }
.Ltmp1:
0x38: {  	[bflag:$0x0] =	sbarrier.arrive $0xFFFF;
	(pc) =	sbr.rel @p0 .LBB2_1-.Ltmp1, $4  }
0x39: {  	[hbm:s17], [sflag:s5] =	dma.local [spmem:s10], $0x1400  }
0x3a: {  	_ =	swait.ge [sflag:s11], $0x1400  }
0x3b: {  	[sflag:s11] =	ssyncset.done $0x0  }
0x3c: {  	[sflag:s11] =	ssyncadd.s32 $0xFFFFEC00  }
0x3d: {  	_ =	sfence.sel $0x180000  }
0x3e: {  	[bflag:$0x0] =	sbarrier.arrive $0xFFFF  }
0x3f: {  	p0 =	sne.s32 s2, $0x0;
	_ =	strace $0x9000004A  }
0x40: {  	s0 =	sadd.s32 @!p0 $0x100000, s0;
	[bflag:$0x2] =	sbarrier.arrive $0xFFFF  }
0x41: {  	[sflag:s0] =	ssyncadd.tile.s32 @!p0 $0x1;
	_ =	shalt  }
.Lfunc_end2:
_tile_overlayer_lowered:
.L_overlay_start_2:
0x42: {  	(tag) =	ssettag $0x2  }
0x43: {  	s0 =	rddreg [dreg:$0x0];
	s2 =	stileid.u32  }
0x44: {  	s1 =	rddreg [dreg:$0x1];
	p0 =	sne.s32 s2, $0x0  }
0x45: {  	s3 =	rddreg [dreg:$0x2];
	[bflag:$0x3] =	sbarrier.arrive $0xFFFF;
	s2 =	simm.s32 @!p0 $0x1C02  }
0x46: {  	[timem:s3], [sflag:s2] =	dma.local @!p0 [hbm:s0], s1  }
0x47: {  	s0 =	simm.s32 @!p0 $0x2  }
0x48: {  	_ =	swait.ge @!p0 [sflag:s0], s1  }
0x49: {  	s1 =	ssub.s32 @!p0 $0x0, s1;
	[sflag:s0] =	ssyncset.done @!p0 $0x0  }
0x4a: {  	[sflag:s0] =	ssyncadd.s32 @!p0 s1  }
0x4b: {  	[bflag:$0x3] =	sbarrier.arrive $0xFFFF  }
0x4c: {  	_ =	shalt  }

</sc_bundles>
